<compile_context>
chip_gen: v7x
topology: tpu7x:2x2x1
jax: 0.10.2.dev20260603
libtpu: 0.0.44.dev20260713+nightly
codegen_flags: <defaults>
</compile_context>

<pallas_src>
import jax
import jax.numpy as jnp
from jax import lax
from jax.experimental import pallas as pl
from jax.experimental.pallas import tpu as pltpu, tpu_sc as plsc

_CLASSNUM = 70722
_BATCH = 4096
_EPS = 0.001

_NS = 16
_L = 16
_C_PAD = 70728
_CHUNK = _BATCH // _NS
_HALF = _CHUNK // 2

_FN = 0
_SQ2 = 2
_ONES, _ZEROS = 4, 5
_CNT, _SUM, _SQ, _RES = 6, 8, 10, 12


def _newton_rsqrt(v):
    i = lax.bitcast_convert_type(v, jnp.int32)
    i = jnp.int32(0x5F3759DF) - lax.shift_right_logical(i, 1)
    y = lax.bitcast_convert_type(i, jnp.float32)
    for _ in range(3):
        y = y * (1.5 - 0.5 * v * y * y)
    return y


def _sc_body(label_hbm, fn_hbm, out_hbm,
             lab2, buf, sem_a, sem_b, sem_c,
             counts_sh, sums_sh, sqs_sh):
    sid = lax.axis_index("s")

    lab_d = []
    fn_d = []
    for j in range(2):
        base = sid * _CHUNK + j * _HALF
        lab_d.append(pltpu.async_copy(
            label_hbm.at[pl.ds(base, _HALF)], lab2.at[j], sem_a))
        fn_d.append(pltpu.async_copy(
            fn_hbm.at[pl.ds(base, _HALF)], buf.at[_FN + j], sem_b))

    def fill(k, _):
        sl = pl.ds(k * _L, _L)
        buf[_ONES, sl] = jnp.full((_L,), 1.0, jnp.float32)
        buf[_ZEROS, sl] = jnp.full((_L,), 0.0, jnp.float32)
        return 0
    lax.fori_loop(0, _HALF // _L, fill, 0)

    for d in lab_d:
        d.wait()

    zero_d = []
    for j in range(2):
        idx = lab2.at[j]
        zero_d.append(pltpu.async_copy(buf.at[_ZEROS], counts_sh.at[idx], sem_c))
        zero_d.append(pltpu.async_copy(buf.at[_ZEROS], sums_sh.at[idx], sem_c))
        zero_d.append(pltpu.async_copy(buf.at[_ZEROS], sqs_sh.at[idx], sem_c))

    for d in fn_d:
        d.wait()

    def square(k, _):
        sl = pl.ds(k * _L, _L)
        for j in range(2):
            f = buf[_FN + j, sl]
            buf[_SQ2 + j, sl] = f * f
        return 0
    lax.fori_loop(0, _HALF // _L, square, 0)

    for d in zero_d:
        d.wait()
    plsc.subcore_barrier()

    add_d = []
    for j in range(2):
        idx = lab2.at[j]
        add_d.append(pltpu.async_copy(
            buf.at[_ONES], counts_sh.at[idx], sem_a, add=True))
        add_d.append(pltpu.async_copy(
            buf.at[_FN + j], sums_sh.at[idx], sem_a, add=True))
        add_d.append(pltpu.async_copy(
            buf.at[_SQ2 + j], sqs_sh.at[idx], sem_a, add=True))
    for d in add_d:
        d.wait()
    plsc.subcore_barrier()

    gat_d = []
    for j in range(2):
        idx = lab2.at[j]
        gat_d.append(pltpu.async_copy(counts_sh.at[idx], buf.at[_CNT + j], sem_b))
        gat_d.append(pltpu.async_copy(sums_sh.at[idx], buf.at[_SUM + j], sem_b))
        gat_d.append(pltpu.async_copy(sqs_sh.at[idx], buf.at[_SQ + j], sem_b))
    for d in gat_d:
        d.wait()

    def norm(k, _):
        sl = pl.ds(k * _L, _L)
        for j in range(2):
            cnt = buf[_CNT + j, sl]
            s = buf[_SUM + j, sl]
            q = buf[_SQ + j, sl]
            f = buf[_FN + j, sl]
            mean = s / jnp.maximum(cnt, 1.0)
            var = (q - cnt * mean * mean) / jnp.maximum(cnt - 1.0, 1.0)
            var = jnp.maximum(var, 0.0)
            y = _newton_rsqrt(jnp.maximum(var, 1e-30))
            std = var * y
            d = f - mean
            buf[_RES + j, sl] = jnp.where(cnt > 2.0, d / (std + _EPS), d / 20.0)
        return 0
    lax.fori_loop(0, _HALF // _L, norm, 0)

    for j in range(2):
        pltpu.sync_copy(buf.at[_RES + j],
                        out_hbm.at[pl.ds(sid * _CHUNK + j * _HALF, _HALF)])


@jax.jit
def _lamaface_sc(label, fn):
    mesh = plsc.VectorSubcoreMesh(core_axis_name="c", subcore_axis_name="s", num_cores=1)
    run = pl.kernel(
        _sc_body,
        out_type=jax.ShapeDtypeStruct((_BATCH,), jnp.float32),
        mesh=mesh,
        scratch_types=[
            pltpu.VMEM((2, _HALF), jnp.int32),
            pltpu.VMEM((14, _HALF), jnp.float32),
            pltpu.SemaphoreType.DMA,
            pltpu.SemaphoreType.DMA,
            pltpu.SemaphoreType.DMA,
            pltpu.VMEM_SHARED((_C_PAD,), jnp.float32),
            pltpu.VMEM_SHARED((_C_PAD,), jnp.float32),
            pltpu.VMEM_SHARED((_C_PAD,), jnp.float32),
        ],
    )
    return run(label, fn)


def kernel(feature_norm, label, kernel):
    del kernel
    res = _lamaface_sc(label, feature_norm[:, 0])
    return res[:, None]

# --- scband reference (transcript-rebuilt; emitter-appended) ---
"""Pipeline reference for scband-lamaface-11201274708636 (READ-ONLY COPY).

The authoritative reference and input builder live on the scoring server;
editing this copy changes nothing except your own understanding.
"""

import jax, jax.numpy as jnp
import numpy as np

CLASSNUM = 70722
EMBED = 512
BATCH = 4096
EPS = 0.001

def setup_inputs(seed: int = 0) -> dict:
    key = jax.random.key(seed)
    k1, k2, k3 = jax.random.split(key, 3)
    feature_norm = jax.random.uniform(k1, (BATCH, 1), dtype=jnp.float32)
    label = jax.random.randint(k2, (BATCH,), 0, CLASSNUM, dtype=jnp.int32)
    # kernel parameter: uniform(-1,1) then column-renormalized (mimics renorm_(2,1,1e-5).mul_(1e5))
    kernel = jax.random.uniform(k3, (EMBED, CLASSNUM), dtype=jnp.float32, minval=-1.0, maxval=1.0)
    colnorm = jnp.linalg.norm(kernel, axis=0, keepdims=True)
    kernel = kernel / jnp.maximum(colnorm, 1e-12)
    return {"feature_norm": feature_norm, "label": label, "kernel": kernel}

def reference(feature_norm, label, kernel):
    # Faithful translation of LAMAFace.feature_norm_normalize with compensate=False
    # and initially-empty per-class memory banks: after update(), feature_mb[c]
    # holds exactly the feature_norm values of this batch's samples with label c.
    kernel_norm = jnp.linalg.norm(kernel, axis=0)  # computed as in original (stored to proxy_mb)
    fn = feature_norm[:, 0]
    ones = jnp.ones_like(fn)
    counts = jax.ops.segment_sum(ones, label, num_segments=CLASSNUM)
    sums = jax.ops.segment_sum(fn, label, num_segments=CLASSNUM)
    sqsums = jax.ops.segment_sum(fn * fn, label, num_segments=CLASSNUM)
    cnt = counts[label]
    mean = sums[label] / jnp.maximum(cnt, 1.0)
    # unbiased std (torch.std default, ddof=1); only used when cnt > 2
    var = (sqsums[label] - cnt * mean * mean) / jnp.maximum(cnt - 1.0, 1.0)
    std = jnp.sqrt(jnp.maximum(var, 0.0))
    res = jnp.where(cnt > 2, (fn - mean) / (std + EPS), (fn - mean) / 20.0)
    # keep kernel_norm in the graph (matches original side computation)
    res = res + 0.0 * jnp.sum(kernel_norm) * 0.0
    return res[:, None]

if __name__ == "__main__":
    import jax
    _d = setup_inputs()
    print(jax.jit(kernel)(*tuple(_d.values())))

</pallas_src>

<mosaic_0001>
#map = affine_map<(d0, d1) -> (0)>
module attributes {stable_mosaic.version = 14 : i64} {
  func.func @_sc_body(%arg0: i32, %arg1: i32, %arg2: memref<4096xi32, #tpu.memory_space<hbm>>, %arg3: memref<4096xf32, #tpu.memory_space<hbm>>, %arg4: memref<4096xf32, #tpu.memory_space<hbm>>, %arg5: memref<2x128xi32, #tpu.memory_space<vmem>>, %arg6: memref<14x128xf32, #tpu.memory_space<vmem>>, %arg7: memref<!tpu.dma_semaphore, #tpu.memory_space<semaphore_mem>>, %arg8: memref<!tpu.dma_semaphore, #tpu.memory_space<semaphore_mem>>, %arg9: memref<!tpu.dma_semaphore, #tpu.memory_space<semaphore_mem>>, %arg10: memref<70728xf32, #tpu.memory_space<vmem_shared>>, %arg11: memref<70728xf32, #tpu.memory_space<vmem_shared>>, %arg12: memref<70728xf32, #tpu.memory_space<vmem_shared>>) attributes {dimension_semantics = [#tpu.dimension_semantics<core_parallel>, #tpu.dimension_semantics<subcore_parallel>], iteration_bounds = array<i64: 1, 16>, scalar_prefetch = 0 : i64, scratch_operands = 8 : i64, tpu.core_type = #tpu.core_type<sc_vector_subcore>, window_params = [{transform_indices = #map}, {transform_indices = #map}, {transform_indices = #map}]} {
    %mul3A = arith.constant 256 : i32
    %mul3A_0 = arith.muli %arg1, %mul3A : i32
    %add3A = arith.constant 0 : i32
    %add3A_1 = arith.addi %mul3A_0, %add3A : i32
    %dma_start3A = arith.constant 0 : i32
    %dma_start3A_2 = arith.constant 0 : i32
    %dma_start3A_3 = tpu.memref_slice %arg5[%dma_start3A, %dma_start3A_2] : memref<2x128xi32, #tpu.memory_space<vmem>> -> memref<1x128xi32, #tpu.memory_space<vmem>>
    %dma_start3A_4 = tpu.memref_squeeze %dma_start3A_3 : memref<1x128xi32, #tpu.memory_space<vmem>> -> memref<128xi32, #tpu.memory_space<vmem>>
    %dma_start3A_5 = tpu.memref_slice %arg2[%add3A_1] : memref<4096xi32, #tpu.memory_space<hbm>> -> memref<128xi32, #tpu.memory_space<hbm>>
    %dma_start3A_6 = arith.constant 0 : i32
    %dma_start3A_7 = tpu.memref_slice %arg5[%dma_start3A, %dma_start3A_6] : memref<2x128xi32, #tpu.memory_space<vmem>> -> memref<1x128xi32, #tpu.memory_space<vmem>>
    %dma_start3A_8 = tpu.memref_squeeze %dma_start3A_7 : memref<1x128xi32, #tpu.memory_space<vmem>> -> memref<128xi32, #tpu.memory_space<vmem>>
    %dma_start3A_9 = tpu.memref_slice %arg2[%add3A_1] : memref<4096xi32, #tpu.memory_space<hbm>> -> memref<128xi32, #tpu.memory_space<hbm>>
    tpu.enqueue_dma source(%dma_start3A_9 : memref<128xi32, #tpu.memory_space<hbm>>) target(%dma_start3A_8 : memref<128xi32, #tpu.memory_space<vmem>>) target_semaphore(%arg7 : memref<!tpu.dma_semaphore, #tpu.memory_space<semaphore_mem>>)
    %dma_start3A_10 = arith.constant 0 : i32
    %dma_start3A_11 = arith.constant 0 : i32
    %dma_start3A_12 = tpu.memref_slice %arg6[%dma_start3A_10, %dma_start3A_11] : memref<14x128xf32, #tpu.memory_space<vmem>> -> memref<1x128xf32, #tpu.memory_space<vmem>>
    %dma_start3A_13 = tpu.memref_squeeze %dma_start3A_12 : memref<1x128xf32, #tpu.memory_space<vmem>> -> memref<128xf32, #tpu.memory_space<vmem>>
    %dma_start3A_14 = tpu.memref_slice %arg3[%add3A_1] : memref<4096xf32, #tpu.memory_space<hbm>> -> memref<128xf32, #tpu.memory_space<hbm>>
    %dma_start3A_15 = arith.constant 0 : i32
    %dma_start3A_16 = tpu.memref_slice %arg6[%dma_start3A_10, %dma_start3A_15] : memref<14x128xf32, #tpu.memory_space<vmem>> -> memref<1x128xf32, #tpu.memory_space<vmem>>
    %dma_start3A_17 = tpu.memref_squeeze %dma_start3A_16 : memref<1x128xf32, #tpu.memory_space<vmem>> -> memref<128xf32, #tpu.memory_space<vmem>>
    %dma_start3A_18 = tpu.memref_slice %arg3[%add3A_1] : memref<4096xf32, #tpu.memory_space<hbm>> -> memref<128xf32, #tpu.memory_space<hbm>>
    tpu.enqueue_dma source(%dma_start3A_18 : memref<128xf32, #tpu.memory_space<hbm>>) target(%dma_start3A_17 : memref<128xf32, #tpu.memory_space<vmem>>) target_semaphore(%arg8 : memref<!tpu.dma_semaphore, #tpu.memory_space<semaphore_mem>>)
    %mul3A_19 = arith.constant 256 : i32
    %mul3A_20 = arith.muli %arg1, %mul3A_19 : i32
    %add3A_21 = arith.constant 128 : i32
    %add3A_22 = arith.addi %mul3A_20, %add3A_21 : i32
    %dma_start3A_23 = arith.constant 1 : i32
    %dma_start3A_24 = arith.constant 0 : i32
    %dma_start3A_25 = tpu.memref_slice %arg5[%dma_start3A_23, %dma_start3A_24] : memref<2x128xi32, #tpu.memory_space<vmem>> -> memref<1x128xi32, #tpu.memory_space<vmem>>
    %dma_start3A_26 = tpu.memref_squeeze %dma_start3A_25 : memref<1x128xi32, #tpu.memory_space<vmem>> -> memref<128xi32, #tpu.memory_space<vmem>>
    %dma_start3A_27 = tpu.memref_slice %arg2[%add3A_22] : memref<4096xi32, #tpu.memory_space<hbm>> -> memref<128xi32, #tpu.memory_space<hbm>>
    %dma_start3A_28 = arith.constant 0 : i32
    %dma_start3A_29 = tpu.memref_slice %arg5[%dma_start3A_23, %dma_start3A_28] : memref<2x128xi32, #tpu.memory_space<vmem>> -> memref<1x128xi32, #tpu.memory_space<vmem>>
    %dma_start3A_30 = tpu.memref_squeeze %dma_start3A_29 : memref<1x128xi32, #tpu.memory_space<vmem>> -> memref<128xi32, #tpu.memory_space<vmem>>
    %dma_start3A_31 = tpu.memref_slice %arg2[%add3A_22] : memref<4096xi32, #tpu.memory_space<hbm>> -> memref<128xi32, #tpu.memory_space<hbm>>
    tpu.enqueue_dma source(%dma_start3A_31 : memref<128xi32, #tpu.memory_space<hbm>>) target(%dma_start3A_30 : memref<128xi32, #tpu.memory_space<vmem>>) target_semaphore(%arg7 : memref<!tpu.dma_semaphore, #tpu.memory_space<semaphore_mem>>)
    %dma_start3A_32 = arith.constant 1 : i32
    %dma_start3A_33 = arith.constant 0 : i32
    %dma_start3A_34 = tpu.memref_slice %arg6[%dma_start3A_32, %dma_start3A_33] : memref<14x128xf32, #tpu.memory_space<vmem>> -> memref<1x128xf32, #tpu.memory_space<vmem>>
    %dma_start3A_35 = tpu.memref_squeeze %dma_start3A_34 : memref<1x128xf32, #tpu.memory_space<vmem>> -> memref<128xf32, #tpu.memory_space<vmem>>
    %dma_start3A_36 = tpu.memref_slice %arg3[%add3A_22] : memref<4096xf32, #tpu.memory_space<hbm>> -> memref<128xf32, #tpu.memory_space<hbm>>
    %dma_start3A_37 = arith.constant 0 : i32
    %dma_start3A_38 = tpu.memref_slice %arg6[%dma_start3A_32, %dma_start3A_37] : memref<14x128xf32, #tpu.memory_space<vmem>> -> memref<1x128xf32, #tpu.memory_space<vmem>>
    %dma_start3A_39 = tpu.memref_squeeze %dma_start3A_38 : memref<1x128xf32, #tpu.memory_space<vmem>> -> memref<128xf32, #tpu.memory_space<vmem>>
    %dma_start3A_40 = tpu.memref_slice %arg3[%add3A_22] : memref<4096xf32, #tpu.memory_space<hbm>> -> memref<128xf32, #tpu.memory_space<hbm>>
    tpu.enqueue_dma source(%dma_start3A_40 : memref<128xf32, #tpu.memory_space<hbm>>) target(%dma_start3A_39 : memref<128xf32, #tpu.memory_space<vmem>>) target_semaphore(%arg8 : memref<!tpu.dma_semaphore, #tpu.memory_space<semaphore_mem>>)
    %scan3A = arith.constant 0 : i32
    %scan3A_41 = arith.constant 0 : i32
    %scan3A_42 = arith.constant 8 : i32
    %scan3A_43 = arith.addi %scan3A_41, %scan3A_42 : i32
    %scan3A_44 = arith.constant 1 : i32
    %scan3A_45 = scf.for %scan3A_466 = %scan3A_41 to %scan3A_43 step %scan3A_44 iter_args(%scan3A_467 = %scan3A) -> (i32)  : i32 {
      %mul3A_468 = arith.constant 16 : i32
      %mul3A_469 = arith.muli %scan3A_466, %mul3A_468 : i32
      %broadcast_in_dim3A = arith.constant 1.000000e+00 : f32
      %broadcast_in_dim3A_470 = vector.broadcast %broadcast_in_dim3A : f32 to vector<16xf32>
      %swap3A = arith.constant 4 : i32
      %swap3A_471 = arith.index_cast %swap3A : i32 to index
      %swap3A_472 = arith.index_cast %mul3A_469 : i32 to index
      %swap3A_473 = tpu.vector_load %arg6[%swap3A_471, %swap3A_472] {strides = array<i32>} : memref<14x128xf32, #tpu.memory_space<vmem>>, vector<1x16xf32>,
      %swap3A_474 = vector.shape_cast %swap3A_473 : vector<1x16xf32> to vector<16xf32>
      %swap3A_475 = vector.shape_cast %broadcast_in_dim3A_470 : vector<16xf32> to vector<1x16xf32>
      tpu.vector_store %arg6[%swap3A_471, %swap3A_472], %swap3A_475 {strides = array<i32>} : memref<14x128xf32, #tpu.memory_space<vmem>>, vector<1x16xf32>,
      %broadcast_in_dim3A_476 = arith.constant 0.000000e+00 : f32
      %broadcast_in_dim3A_477 = vector.broadcast %broadcast_in_dim3A_476 : f32 to vector<16xf32>
      %swap3A_478 = arith.constant 5 : i32
      %swap3A_479 = arith.index_cast %swap3A_478 : i32 to index
      %swap3A_480 = arith.index_cast %mul3A_469 : i32 to index
      %swap3A_481 = tpu.vector_load %arg6[%swap3A_479, %swap3A_480] {strides = array<i32>} : memref<14x128xf32, #tpu.memory_space<vmem>>, vector<1x16xf32>,
      %swap3A_482 = vector.shape_cast %swap3A_481 : vector<1x16xf32> to vector<16xf32>
      %swap3A_483 = vector.shape_cast %broadcast_in_dim3A_477 : vector<16xf32> to vector<1x16xf32>
      tpu.vector_store %arg6[%swap3A_479, %swap3A_480], %swap3A_483 {strides = array<i32>} : memref<14x128xf32, #tpu.memory_space<vmem>>, vector<1x16xf32>,
      %scan3A_484 = arith.constant 0 : i32
      scf.yield %scan3A_484 : i32
    }
    %scan3A_46 = arith.constant 8 : i32
    %dma_wait3A = arith.constant 0 : i32
    %dma_wait3A_47 = arith.constant 0 : i32
    %dma_wait3A_48 = tpu.memref_slice %arg5[%dma_wait3A, %dma_wait3A_47] : memref<2x128xi32, #tpu.memory_space<vmem>> -> memref<1x128xi32, #tpu.memory_space<vmem>>
    %dma_wait3A_49 = tpu.memref_squeeze %dma_wait3A_48 : memref<1x128xi32, #tpu.memory_space<vmem>> -> memref<128xi32, #tpu.memory_space<vmem>>
    %dma_wait3A_50 = tpu.memref_slice %arg2[%add3A_1] : memref<4096xi32, #tpu.memory_space<hbm>> -> memref<128xi32, #tpu.memory_space<hbm>>
    %dma_wait3A_51 = arith.constant 0 : i32
    %dma_wait3A_52 = tpu.memref_slice %arg5[%dma_wait3A, %dma_wait3A_51] : memref<2x128xi32, #tpu.memory_space<vmem>> -> memref<1x128xi32, #tpu.memory_space<vmem>>
    %dma_wait3A_53 = tpu.memref_squeeze %dma_wait3A_52 : memref<1x128xi32, #tpu.memory_space<vmem>> -> memref<128xi32, #tpu.memory_space<vmem>>
    %dma_wait3A_54 = tpu.memref_slice %arg2[%add3A_1] : memref<4096xi32, #tpu.memory_space<hbm>> -> memref<128xi32, #tpu.memory_space<hbm>>
    tpu.wait_dma2 semaphore(%arg7 : memref<!tpu.dma_semaphore, #tpu.memory_space<semaphore_mem>>) src(%dma_wait3A_54 : memref<128xi32, #tpu.memory_space<hbm>>) dst(%dma_wait3A_53 : memref<128xi32, #tpu.memory_space<vmem>>)
    %dma_wait3A_55 = arith.constant 1 : i32
    %dma_wait3A_56 = arith.constant 0 : i32
    %dma_wait3A_57 = tpu.memref_slice %arg5[%dma_wait3A_55, %dma_wait3A_56] : memref<2x128xi32, #tpu.memory_space<vmem>> -> memref<1x128xi32, #tpu.memory_space<vmem>>
    %dma_wait3A_58 = tpu.memref_squeeze %dma_wait3A_57 : memref<1x128xi32, #tpu.memory_space<vmem>> -> memref<128xi32, #tpu.memory_space<vmem>>
    %dma_wait3A_59 = tpu.memref_slice %arg2[%add3A_22] : memref<4096xi32, #tpu.memory_space<hbm>> -> memref<128xi32, #tpu.memory_space<hbm>>
    %dma_wait3A_60 = arith.constant 0 : i32
    %dma_wait3A_61 = tpu.memref_slice %arg5[%dma_wait3A_55, %dma_wait3A_60] : memref<2x128xi32, #tpu.memory_space<vmem>> -> memref<1x128xi32, #tpu.memory_space<vmem>>
    %dma_wait3A_62 = tpu.memref_squeeze %dma_wait3A_61 : memref<1x128xi32, #tpu.memory_space<vmem>> -> memref<128xi32, #tpu.memory_space<vmem>>
    %dma_wait3A_63 = tpu.memref_slice %arg2[%add3A_22] : memref<4096xi32, #tpu.memory_space<hbm>> -> memref<128xi32, #tpu.memory_space<hbm>>
    tpu.wait_dma2 semaphore(%arg7 : memref<!tpu.dma_semaphore, #tpu.memory_space<semaphore_mem>>) src(%dma_wait3A_63 : memref<128xi32, #tpu.memory_space<hbm>>) dst(%dma_wait3A_62 : memref<128xi32, #tpu.memory_space<vmem>>)
    %dma_start3A_64 = arith.constant 5 : i32
    %dma_start3A_65 = arith.constant 0 : i32
    %dma_start3A_66 = arith.constant 0 : i32
    %dma_start3A_67 = tpu.memref_slice %arg6[%dma_start3A_64, %dma_start3A_66] : memref<14x128xf32, #tpu.memory_space<vmem>> -> memref<1x128xf32, #tpu.memory_space<vmem>>
    %dma_start3A_68 = tpu.memref_squeeze %dma_start3A_67 : memref<1x128xf32, #tpu.memory_space<vmem>> -> memref<128xf32, #tpu.memory_space<vmem>>
    %dma_start3A_69 = arith.constant 0 : i32
    %dma_start3A_70 = tpu.memref_slice %arg5[%dma_start3A_65, %dma_start3A_69] : memref<2x128xi32, #tpu.memory_space<vmem>> -> memref<1x128xi32, #tpu.memory_space<vmem>>
    %dma_start3A_71 = tpu.memref_squeeze %dma_start3A_70 : memref<1x128xi32, #tpu.memory_space<vmem>> -> memref<128xi32, #tpu.memory_space<vmem>>
    %dma_start3A_72 = arith.constant 0 : i32
    %dma_start3A_73 = tpu.memref_slice %arg10[%dma_start3A_72] : memref<70728xf32, #tpu.memory_space<vmem_shared>> -> memref<70728xf32, #tpu.memory_space<vmem_shared>>
    tpu.enqueue_indirect_dma source(%dma_start3A_68 : memref<128xf32, #tpu.memory_space<vmem>>) target(%dma_start3A_73 : memref<70728xf32, #tpu.memory_space<vmem_shared>>) offsets(%dma_start3A_71 : memref<128xi32, #tpu.memory_space<vmem>>) semaphore(%arg9 : memref<!tpu.dma_semaphore, #tpu.memory_space<semaphore_mem>>)
    %dma_start3A_74 = arith.constant 5 : i32
    %dma_start3A_75 = arith.constant 0 : i32
    %dma_start3A_76 = arith.constant 0 : i32
    %dma_start3A_77 = tpu.memref_slice %arg6[%dma_start3A_74, %dma_start3A_76] : memref<14x128xf32, #tpu.memory_space<vmem>> -> memref<1x128xf32, #tpu.memory_space<vmem>>
    %dma_start3A_78 = tpu.memref_squeeze %dma_start3A_77 : memref<1x128xf32, #tpu.memory_space<vmem>> -> memref<128xf32, #tpu.memory_space<vmem>>
    %dma_start3A_79 = arith.constant 0 : i32
    %dma_start3A_80 = tpu.memref_slice %arg5[%dma_start3A_75, %dma_start3A_79] : memref<2x128xi32, #tpu.memory_space<vmem>> -> memref<1x128xi32, #tpu.memory_space<vmem>>
    %dma_start3A_81 = tpu.memref_squeeze %dma_start3A_80 : memref<1x128xi32, #tpu.memory_space<vmem>> -> memref<128xi32, #tpu.memory_space<vmem>>
    %dma_start3A_82 = arith.constant 0 : i32
    %dma_start3A_83 = tpu.memref_slice %arg11[%dma_start3A_82] : memref<70728xf32, #tpu.memory_space<vmem_shared>> -> memref<70728xf32, #tpu.memory_space<vmem_shared>>
    tpu.enqueue_indirect_dma source(%dma_start3A_78 : memref<128xf32, #tpu.memory_space<vmem>>) target(%dma_start3A_83 : memref<70728xf32, #tpu.memory_space<vmem_shared>>) offsets(%dma_start3A_81 : memref<128xi32, #tpu.memory_space<vmem>>) semaphore(%arg9 : memref<!tpu.dma_semaphore, #tpu.memory_space<semaphore_mem>>)
    %dma_start3A_84 = arith.constant 5 : i32
    %dma_start3A_85 = arith.constant 0 : i32
    %dma_start3A_86 = arith.constant 0 : i32
    %dma_start3A_87 = tpu.memref_slice %arg6[%dma_start3A_84, %dma_start3A_86] : memref<14x128xf32, #tpu.memory_space<vmem>> -> memref<1x128xf32, #tpu.memory_space<vmem>>
    %dma_start3A_88 = tpu.memref_squeeze %dma_start3A_87 : memref<1x128xf32, #tpu.memory_space<vmem>> -> memref<128xf32, #tpu.memory_space<vmem>>
    %dma_start3A_89 = arith.constant 0 : i32
    %dma_start3A_90 = tpu.memref_slice %arg5[%dma_start3A_85, %dma_start3A_89] : memref<2x128xi32, #tpu.memory_space<vmem>> -> memref<1x128xi32, #tpu.memory_space<vmem>>
    %dma_start3A_91 = tpu.memref_squeeze %dma_start3A_90 : memref<1x128xi32, #tpu.memory_space<vmem>> -> memref<128xi32, #tpu.memory_space<vmem>>
    %dma_start3A_92 = arith.constant 0 : i32
    %dma_start3A_93 = tpu.memref_slice %arg12[%dma_start3A_92] : memref<70728xf32, #tpu.memory_space<vmem_shared>> -> memref<70728xf32, #tpu.memory_space<vmem_shared>>
    tpu.enqueue_indirect_dma source(%dma_start3A_88 : memref<128xf32, #tpu.memory_space<vmem>>) target(%dma_start3A_93 : memref<70728xf32, #tpu.memory_space<vmem_shared>>) offsets(%dma_start3A_91 : memref<128xi32, #tpu.memory_space<vmem>>) semaphore(%arg9 : memref<!tpu.dma_semaphore, #tpu.memory_space<semaphore_mem>>)
    %dma_start3A_94 = arith.constant 5 : i32
    %dma_start3A_95 = arith.constant 1 : i32
    %dma_start3A_96 = arith.constant 0 : i32
    %dma_start3A_97 = tpu.memref_slice %arg6[%dma_start3A_94, %dma_start3A_96] : memref<14x128xf32, #tpu.memory_space<vmem>> -> memref<1x128xf32, #tpu.memory_space<vmem>>
    %dma_start3A_98 = tpu.memref_squeeze %dma_start3A_97 : memref<1x128xf32, #tpu.memory_space<vmem>> -> memref<128xf32, #tpu.memory_space<vmem>>
    %dma_start3A_99 = arith.constant 0 : i32
    %dma_start3A_100 = tpu.memref_slice %arg5[%dma_start3A_95, %dma_start3A_99] : memref<2x128xi32, #tpu.memory_space<vmem>> -> memref<1x128xi32, #tpu.memory_space<vmem>>
    %dma_start3A_101 = tpu.memref_squeeze %dma_start3A_100 : memref<1x128xi32, #tpu.memory_space<vmem>> -> memref<128xi32, #tpu.memory_space<vmem>>
    %dma_start3A_102 = arith.constant 0 : i32
    %dma_start3A_103 = tpu.memref_slice %arg10[%dma_start3A_102] : memref<70728xf32, #tpu.memory_space<vmem_shared>> -> memref<70728xf32, #tpu.memory_space<vmem_shared>>
    tpu.enqueue_indirect_dma source(%dma_start3A_98 : memref<128xf32, #tpu.memory_space<vmem>>) target(%dma_start3A_103 : memref<70728xf32, #tpu.memory_space<vmem_shared>>) offsets(%dma_start3A_101 : memref<128xi32, #tpu.memory_space<vmem>>) semaphore(%arg9 : memref<!tpu.dma_semaphore, #tpu.memory_space<semaphore_mem>>)
    %dma_start3A_104 = arith.constant 5 : i32
    %dma_start3A_105 = arith.constant 1 : i32
    %dma_start3A_106 = arith.constant 0 : i32
    %dma_start3A_107 = tpu.memref_slice %arg6[%dma_start3A_104, %dma_start3A_106] : memref<14x128xf32, #tpu.memory_space<vmem>> -> memref<1x128xf32, #tpu.memory_space<vmem>>
    %dma_start3A_108 = tpu.memref_squeeze %dma_start3A_107 : memref<1x128xf32, #tpu.memory_space<vmem>> -> memref<128xf32, #tpu.memory_space<vmem>>
    %dma_start3A_109 = arith.constant 0 : i32
    %dma_start3A_110 = tpu.memref_slice %arg5[%dma_start3A_105, %dma_start3A_109] : memref<2x128xi32, #tpu.memory_space<vmem>> -> memref<1x128xi32, #tpu.memory_space<vmem>>
    %dma_start3A_111 = tpu.memref_squeeze %dma_start3A_110 : memref<1x128xi32, #tpu.memory_space<vmem>> -> memref<128xi32, #tpu.memory_space<vmem>>
    %dma_start3A_112 = arith.constant 0 : i32
    %dma_start3A_113 = tpu.memref_slice %arg11[%dma_start3A_112] : memref<70728xf32, #tpu.memory_space<vmem_shared>> -> memref<70728xf32, #tpu.memory_space<vmem_shared>>
    tpu.enqueue_indirect_dma source(%dma_start3A_108 : memref<128xf32, #tpu.memory_space<vmem>>) target(%dma_start3A_113 : memref<70728xf32, #tpu.memory_space<vmem_shared>>) offsets(%dma_start3A_111 : memref<128xi32, #tpu.memory_space<vmem>>) semaphore(%arg9 : memref<!tpu.dma_semaphore, #tpu.memory_space<semaphore_mem>>)
    %dma_start3A_114 = arith.constant 5 : i32
    %dma_start3A_115 = arith.constant 1 : i32
    %dma_start3A_116 = arith.constant 0 : i32
    %dma_start3A_117 = tpu.memref_slice %arg6[%dma_start3A_114, %dma_start3A_116] : memref<14x128xf32, #tpu.memory_space<vmem>> -> memref<1x128xf32, #tpu.memory_space<vmem>>
    %dma_start3A_118 = tpu.memref_squeeze %dma_start3A_117 : memref<1x128xf32, #tpu.memory_space<vmem>> -> memref<128xf32, #tpu.memory_space<vmem>>
    %dma_start3A_119 = arith.constant 0 : i32
    %dma_start3A_120 = tpu.memref_slice %arg5[%dma_start3A_115, %dma_start3A_119] : memref<2x128xi32, #tpu.memory_space<vmem>> -> memref<1x128xi32, #tpu.memory_space<vmem>>
    %dma_start3A_121 = tpu.memref_squeeze %dma_start3A_120 : memref<1x128xi32, #tpu.memory_space<vmem>> -> memref<128xi32, #tpu.memory_space<vmem>>
    %dma_start3A_122 = arith.constant 0 : i32
    %dma_start3A_123 = tpu.memref_slice %arg12[%dma_start3A_122] : memref<70728xf32, #tpu.memory_space<vmem_shared>> -> memref<70728xf32, #tpu.memory_space<vmem_shared>>
    tpu.enqueue_indirect_dma source(%dma_start3A_118 : memref<128xf32, #tpu.memory_space<vmem>>) target(%dma_start3A_123 : memref<70728xf32, #tpu.memory_space<vmem_shared>>) offsets(%dma_start3A_121 : memref<128xi32, #tpu.memory_space<vmem>>) semaphore(%arg9 : memref<!tpu.dma_semaphore, #tpu.memory_space<semaphore_mem>>)
    %dma_wait3A_124 = arith.constant 0 : i32
    %dma_wait3A_125 = arith.constant 0 : i32
    %dma_wait3A_126 = tpu.memref_slice %arg6[%dma_wait3A_124, %dma_wait3A_125] : memref<14x128xf32, #tpu.memory_space<vmem>> -> memref<1x128xf32, #tpu.memory_space<vmem>>
    %dma_wait3A_127 = tpu.memref_squeeze %dma_wait3A_126 : memref<1x128xf32, #tpu.memory_space<vmem>> -> memref<128xf32, #tpu.memory_space<vmem>>
    %dma_wait3A_128 = tpu.memref_slice %arg3[%add3A_1] : memref<4096xf32, #tpu.memory_space<hbm>> -> memref<128xf32, #tpu.memory_space<hbm>>
    %dma_wait3A_129 = arith.constant 0 : i32
    %dma_wait3A_130 = tpu.memref_slice %arg6[%dma_wait3A_124, %dma_wait3A_129] : memref<14x128xf32, #tpu.memory_space<vmem>> -> memref<1x128xf32, #tpu.memory_space<vmem>>
    %dma_wait3A_131 = tpu.memref_squeeze %dma_wait3A_130 : memref<1x128xf32, #tpu.memory_space<vmem>> -> memref<128xf32, #tpu.memory_space<vmem>>
    %dma_wait3A_132 = tpu.memref_slice %arg3[%add3A_1] : memref<4096xf32, #tpu.memory_space<hbm>> -> memref<128xf32, #tpu.memory_space<hbm>>
    tpu.wait_dma2 semaphore(%arg8 : memref<!tpu.dma_semaphore, #tpu.memory_space<semaphore_mem>>) src(%dma_wait3A_132 : memref<128xf32, #tpu.memory_space<hbm>>) dst(%dma_wait3A_131 : memref<128xf32, #tpu.memory_space<vmem>>)
    %dma_wait3A_133 = arith.constant 1 : i32
    %dma_wait3A_134 = arith.constant 0 : i32
    %dma_wait3A_135 = tpu.memref_slice %arg6[%dma_wait3A_133, %dma_wait3A_134] : memref<14x128xf32, #tpu.memory_space<vmem>> -> memref<1x128xf32, #tpu.memory_space<vmem>>
    %dma_wait3A_136 = tpu.memref_squeeze %dma_wait3A_135 : memref<1x128xf32, #tpu.memory_space<vmem>> -> memref<128xf32, #tpu.memory_space<vmem>>
    %dma_wait3A_137 = tpu.memref_slice %arg3[%add3A_22] : memref<4096xf32, #tpu.memory_space<hbm>> -> memref<128xf32, #tpu.memory_space<hbm>>
    %dma_wait3A_138 = arith.constant 0 : i32
    %dma_wait3A_139 = tpu.memref_slice %arg6[%dma_wait3A_133, %dma_wait3A_138] : memref<14x128xf32, #tpu.memory_space<vmem>> -> memref<1x128xf32, #tpu.memory_space<vmem>>
    %dma_wait3A_140 = tpu.memref_squeeze %dma_wait3A_139 : memref<1x128xf32, #tpu.memory_space<vmem>> -> memref<128xf32, #tpu.memory_space<vmem>>
    %dma_wait3A_141 = tpu.memref_slice %arg3[%add3A_22] : memref<4096xf32, #tpu.memory_space<hbm>> -> memref<128xf32, #tpu.memory_space<hbm>>
    tpu.wait_dma2 semaphore(%arg8 : memref<!tpu.dma_semaphore, #tpu.memory_space<semaphore_mem>>) src(%dma_wait3A_141 : memref<128xf32, #tpu.memory_space<hbm>>) dst(%dma_wait3A_140 : memref<128xf32, #tpu.memory_space<vmem>>)
    %scan3A_142 = arith.constant 0 : i32
    %scan3A_143 = arith.constant 0 : i32
    %scan3A_144 = arith.constant 8 : i32
    %scan3A_145 = arith.addi %scan3A_143, %scan3A_144 : i32
    %scan3A_146 = arith.constant 1 : i32
    %scan3A_147 = scf.for %scan3A_466 = %scan3A_143 to %scan3A_145 step %scan3A_146 iter_args(%scan3A_467 = %scan3A_142) -> (i32)  : i32 {
      %mul3A_468 = arith.constant 16 : i32
      %mul3A_469 = arith.muli %scan3A_466, %mul3A_468 : i32
      %get3A = arith.constant 0 : i32
      %get3A_470 = arith.index_cast %get3A : i32 to index
      %get3A_471 = arith.index_cast %mul3A_469 : i32 to index
      %get3A_472 = tpu.vector_load %arg6[%get3A_470, %get3A_471] {strides = array<i32>} : memref<14x128xf32, #tpu.memory_space<vmem>>, vector<1x16xf32>,
      %get3A_473 = vector.shape_cast %get3A_472 : vector<1x16xf32> to vector<16xf32>
      %mul3A_474 = arith.mulf %get3A_473, %get3A_473 : vector<16xf32>
      %swap3A = arith.constant 2 : i32
      %swap3A_475 = arith.index_cast %swap3A : i32 to index
      %swap3A_476 = arith.index_cast %mul3A_469 : i32 to index
      %swap3A_477 = tpu.vector_load %arg6[%swap3A_475, %swap3A_476] {strides = array<i32>} : memref<14x128xf32, #tpu.memory_space<vmem>>, vector<1x16xf32>,
      %swap3A_478 = vector.shape_cast %swap3A_477 : vector<1x16xf32> to vector<16xf32>
      %swap3A_479 = vector.shape_cast %mul3A_474 : vector<16xf32> to vector<1x16xf32>
      tpu.vector_store %arg6[%swap3A_475, %swap3A_476], %swap3A_479 {strides = array<i32>} : memref<14x128xf32, #tpu.memory_space<vmem>>, vector<1x16xf32>,
      %get3A_480 = arith.constant 1 : i32
      %get3A_481 = arith.index_cast %get3A_480 : i32 to index
      %get3A_482 = arith.index_cast %mul3A_469 : i32 to index
      %get3A_483 = tpu.vector_load %arg6[%get3A_481, %get3A_482] {strides = array<i32>} : memref<14x128xf32, #tpu.memory_space<vmem>>, vector<1x16xf32>,
      %get3A_484 = vector.shape_cast %get3A_483 : vector<1x16xf32> to vector<16xf32>
      %mul3A_485 = arith.mulf %get3A_484, %get3A_484 : vector<16xf32>
      %swap3A_486 = arith.constant 3 : i32
      %swap3A_487 = arith.index_cast %swap3A_486 : i32 to index
      %swap3A_488 = arith.index_cast %mul3A_469 : i32 to index
      %swap3A_489 = tpu.vector_load %arg6[%swap3A_487, %swap3A_488] {strides = array<i32>} : memref<14x128xf32, #tpu.memory_space<vmem>>, vector<1x16xf32>,
      %swap3A_490 = vector.shape_cast %swap3A_489 : vector<1x16xf32> to vector<16xf32>
      %swap3A_491 = vector.shape_cast %mul3A_485 : vector<16xf32> to vector<1x16xf32>
      tpu.vector_store %arg6[%swap3A_487, %swap3A_488], %swap3A_491 {strides = array<i32>} : memref<14x128xf32, #tpu.memory_space<vmem>>, vector<1x16xf32>,
      %scan3A_492 = arith.constant 0 : i32
      scf.yield %scan3A_492 : i32
    }
    %scan3A_148 = arith.constant 8 : i32
    %dma_wait3A_149 = arith.constant 5 : i32
    %dma_wait3A_150 = arith.constant 0 : i32
    %dma_wait3A_151 = arith.constant 0 : i32
    %dma_wait3A_152 = tpu.memref_slice %arg6[%dma_wait3A_149, %dma_wait3A_151] : memref<14x128xf32, #tpu.memory_space<vmem>> -> memref<1x128xf32, #tpu.memory_space<vmem>>
    %dma_wait3A_153 = tpu.memref_squeeze %dma_wait3A_152 : memref<1x128xf32, #tpu.memory_space<vmem>> -> memref<128xf32, #tpu.memory_space<vmem>>
    %dma_wait3A_154 = arith.constant 0 : i32
    %dma_wait3A_155 = tpu.memref_slice %arg5[%dma_wait3A_150, %dma_wait3A_154] : memref<2x128xi32, #tpu.memory_space<vmem>> -> memref<1x128xi32, #tpu.memory_space<vmem>>
    %dma_wait3A_156 = tpu.memref_squeeze %dma_wait3A_155 : memref<1x128xi32, #tpu.memory_space<vmem>> -> memref<128xi32, #tpu.memory_space<vmem>>
    %dma_wait3A_157 = arith.constant 0 : i32
    %dma_wait3A_158 = tpu.memref_slice %arg10[%dma_wait3A_157] : memref<70728xf32, #tpu.memory_space<vmem_shared>> -> memref<70728xf32, #tpu.memory_space<vmem_shared>>
    tpu.wait_indirect_dma semaphore(%arg9 : memref<!tpu.dma_semaphore, #tpu.memory_space<semaphore_mem>>) src(%dma_wait3A_153 : memref<128xf32, #tpu.memory_space<vmem>>) dst(%dma_wait3A_158 : memref<70728xf32, #tpu.memory_space<vmem_shared>>)
    %dma_wait3A_159 = arith.constant 5 : i32
    %dma_wait3A_160 = arith.constant 0 : i32
    %dma_wait3A_161 = arith.constant 0 : i32
    %dma_wait3A_162 = tpu.memref_slice %arg6[%dma_wait3A_159, %dma_wait3A_161] : memref<14x128xf32, #tpu.memory_space<vmem>> -> memref<1x128xf32, #tpu.memory_space<vmem>>
    %dma_wait3A_163 = tpu.memref_squeeze %dma_wait3A_162 : memref<1x128xf32, #tpu.memory_space<vmem>> -> memref<128xf32, #tpu.memory_space<vmem>>
    %dma_wait3A_164 = arith.constant 0 : i32
    %dma_wait3A_165 = tpu.memref_slice %arg5[%dma_wait3A_160, %dma_wait3A_164] : memref<2x128xi32, #tpu.memory_space<vmem>> -> memref<1x128xi32, #tpu.memory_space<vmem>>
    %dma_wait3A_166 = tpu.memref_squeeze %dma_wait3A_165 : memref<1x128xi32, #tpu.memory_space<vmem>> -> memref<128xi32, #tpu.memory_space<vmem>>
    %dma_wait3A_167 = arith.constant 0 : i32
    %dma_wait3A_168 = tpu.memref_slice %arg11[%dma_wait3A_167] : memref<70728xf32, #tpu.memory_space<vmem_shared>> -> memref<70728xf32, #tpu.memory_space<vmem_shared>>
    tpu.wait_indirect_dma semaphore(%arg9 : memref<!tpu.dma_semaphore, #tpu.memory_space<semaphore_mem>>) src(%dma_wait3A_163 : memref<128xf32, #tpu.memory_space<vmem>>) dst(%dma_wait3A_168 : memref<70728xf32, #tpu.memory_space<vmem_shared>>)
    %dma_wait3A_169 = arith.constant 5 : i32
    %dma_wait3A_170 = arith.constant 0 : i32
    %dma_wait3A_171 = arith.constant 0 : i32
    %dma_wait3A_172 = tpu.memref_slice %arg6[%dma_wait3A_169, %dma_wait3A_171] : memref<14x128xf32, #tpu.memory_space<vmem>> -> memref<1x128xf32, #tpu.memory_space<vmem>>
    %dma_wait3A_173 = tpu.memref_squeeze %dma_wait3A_172 : memref<1x128xf32, #tpu.memory_space<vmem>> -> memref<128xf32, #tpu.memory_space<vmem>>
    %dma_wait3A_174 = arith.constant 0 : i32
    %dma_wait3A_175 = tpu.memref_slice %arg5[%dma_wait3A_170, %dma_wait3A_174] : memref<2x128xi32, #tpu.memory_space<vmem>> -> memref<1x128xi32, #tpu.memory_space<vmem>>
    %dma_wait3A_176 = tpu.memref_squeeze %dma_wait3A_175 : memref<1x128xi32, #tpu.memory_space<vmem>> -> memref<128xi32, #tpu.memory_space<vmem>>
    %dma_wait3A_177 = arith.constant 0 : i32
    %dma_wait3A_178 = tpu.memref_slice %arg12[%dma_wait3A_177] : memref<70728xf32, #tpu.memory_space<vmem_shared>> -> memref<70728xf32, #tpu.memory_space<vmem_shared>>
    tpu.wait_indirect_dma semaphore(%arg9 : memref<!tpu.dma_semaphore, #tpu.memory_space<semaphore_mem>>) src(%dma_wait3A_173 : memref<128xf32, #tpu.memory_space<vmem>>) dst(%dma_wait3A_178 : memref<70728xf32, #tpu.memory_space<vmem_shared>>)
    %dma_wait3A_179 = arith.constant 5 : i32
    %dma_wait3A_180 = arith.constant 1 : i32
    %dma_wait3A_181 = arith.constant 0 : i32
    %dma_wait3A_182 = tpu.memref_slice %arg6[%dma_wait3A_179, %dma_wait3A_181] : memref<14x128xf32, #tpu.memory_space<vmem>> -> memref<1x128xf32, #tpu.memory_space<vmem>>
    %dma_wait3A_183 = tpu.memref_squeeze %dma_wait3A_182 : memref<1x128xf32, #tpu.memory_space<vmem>> -> memref<128xf32, #tpu.memory_space<vmem>>
    %dma_wait3A_184 = arith.constant 0 : i32
    %dma_wait3A_185 = tpu.memref_slice %arg5[%dma_wait3A_180, %dma_wait3A_184] : memref<2x128xi32, #tpu.memory_space<vmem>> -> memref<1x128xi32, #tpu.memory_space<vmem>>
    %dma_wait3A_186 = tpu.memref_squeeze %dma_wait3A_185 : memref<1x128xi32, #tpu.memory_space<vmem>> -> memref<128xi32, #tpu.memory_space<vmem>>
    %dma_wait3A_187 = arith.constant 0 : i32
    %dma_wait3A_188 = tpu.memref_slice %arg10[%dma_wait3A_187] : memref<70728xf32, #tpu.memory_space<vmem_shared>> -> memref<70728xf32, #tpu.memory_space<vmem_shared>>
    tpu.wait_indirect_dma semaphore(%arg9 : memref<!tpu.dma_semaphore, #tpu.memory_space<semaphore_mem>>) src(%dma_wait3A_183 : memref<128xf32, #tpu.memory_space<vmem>>) dst(%dma_wait3A_188 : memref<70728xf32, #tpu.memory_space<vmem_shared>>)
    %dma_wait3A_189 = arith.constant 5 : i32
    %dma_wait3A_190 = arith.constant 1 : i32
    %dma_wait3A_191 = arith.constant 0 : i32
    %dma_wait3A_192 = tpu.memref_slice %arg6[%dma_wait3A_189, %dma_wait3A_191] : memref<14x128xf32, #tpu.memory_space<vmem>> -> memref<1x128xf32, #tpu.memory_space<vmem>>
    %dma_wait3A_193 = tpu.memref_squeeze %dma_wait3A_192 : memref<1x128xf32, #tpu.memory_space<vmem>> -> memref<128xf32, #tpu.memory_space<vmem>>
    %dma_wait3A_194 = arith.constant 0 : i32
    %dma_wait3A_195 = tpu.memref_slice %arg5[%dma_wait3A_190, %dma_wait3A_194] : memref<2x128xi32, #tpu.memory_space<vmem>> -> memref<1x128xi32, #tpu.memory_space<vmem>>
    %dma_wait3A_196 = tpu.memref_squeeze %dma_wait3A_195 : memref<1x128xi32, #tpu.memory_space<vmem>> -> memref<128xi32, #tpu.memory_space<vmem>>
    %dma_wait3A_197 = arith.constant 0 : i32
    %dma_wait3A_198 = tpu.memref_slice %arg11[%dma_wait3A_197] : memref<70728xf32, #tpu.memory_space<vmem_shared>> -> memref<70728xf32, #tpu.memory_space<vmem_shared>>
    tpu.wait_indirect_dma semaphore(%arg9 : memref<!tpu.dma_semaphore, #tpu.memory_space<semaphore_mem>>) src(%dma_wait3A_193 : memref<128xf32, #tpu.memory_space<vmem>>) dst(%dma_wait3A_198 : memref<70728xf32, #tpu.memory_space<vmem_shared>>)
    %dma_wait3A_199 = arith.constant 5 : i32
    %dma_wait3A_200 = arith.constant 1 : i32
    %dma_wait3A_201 = arith.constant 0 : i32
    %dma_wait3A_202 = tpu.memref_slice %arg6[%dma_wait3A_199, %dma_wait3A_201] : memref<14x128xf32, #tpu.memory_space<vmem>> -> memref<1x128xf32, #tpu.memory_space<vmem>>
    %dma_wait3A_203 = tpu.memref_squeeze %dma_wait3A_202 : memref<1x128xf32, #tpu.memory_space<vmem>> -> memref<128xf32, #tpu.memory_space<vmem>>
    %dma_wait3A_204 = arith.constant 0 : i32
    %dma_wait3A_205 = tpu.memref_slice %arg5[%dma_wait3A_200, %dma_wait3A_204] : memref<2x128xi32, #tpu.memory_space<vmem>> -> memref<1x128xi32, #tpu.memory_space<vmem>>
    %dma_wait3A_206 = tpu.memref_squeeze %dma_wait3A_205 : memref<1x128xi32, #tpu.memory_space<vmem>> -> memref<128xi32, #tpu.memory_space<vmem>>
    %dma_wait3A_207 = arith.constant 0 : i32
    %dma_wait3A_208 = tpu.memref_slice %arg12[%dma_wait3A_207] : memref<70728xf32, #tpu.memory_space<vmem_shared>> -> memref<70728xf32, #tpu.memory_space<vmem_shared>>
    tpu.wait_indirect_dma semaphore(%arg9 : memref<!tpu.dma_semaphore, #tpu.memory_space<semaphore_mem>>) src(%dma_wait3A_203 : memref<128xf32, #tpu.memory_space<vmem>>) dst(%dma_wait3A_208 : memref<70728xf32, #tpu.memory_space<vmem_shared>>)
    %barrier3A = arith.constant 0 : index
    tpu.barrier barrier_id(%barrier3A)
    %dma_start3A_209 = arith.constant 4 : i32
    %dma_start3A_210 = arith.constant 0 : i32
    %dma_start3A_211 = arith.constant 0 : i32
    %dma_start3A_212 = tpu.memref_slice %arg6[%dma_start3A_209, %dma_start3A_211] : memref<14x128xf32, #tpu.memory_space<vmem>> -> memref<1x128xf32, #tpu.memory_space<vmem>>
    %dma_start3A_213 = tpu.memref_squeeze %dma_start3A_212 : memref<1x128xf32, #tpu.memory_space<vmem>> -> memref<128xf32, #tpu.memory_space<vmem>>
    %dma_start3A_214 = arith.constant 0 : i32
    %dma_start3A_215 = tpu.memref_slice %arg5[%dma_start3A_210, %dma_start3A_214] : memref<2x128xi32, #tpu.memory_space<vmem>> -> memref<1x128xi32, #tpu.memory_space<vmem>>
    %dma_start3A_216 = tpu.memref_squeeze %dma_start3A_215 : memref<1x128xi32, #tpu.memory_space<vmem>> -> memref<128xi32, #tpu.memory_space<vmem>>
    %dma_start3A_217 = arith.constant 0 : i32
    %dma_start3A_218 = tpu.memref_slice %arg10[%dma_start3A_217] : memref<70728xf32, #tpu.memory_space<vmem_shared>> -> memref<70728xf32, #tpu.memory_space<vmem_shared>>
    tpu.enqueue_indirect_dma source(%dma_start3A_213 : memref<128xf32, #tpu.memory_space<vmem>>) target(%dma_start3A_218 : memref<70728xf32, #tpu.memory_space<vmem_shared>>) offsets(%dma_start3A_216 : memref<128xi32, #tpu.memory_space<vmem>>) semaphore(%arg7 : memref<!tpu.dma_semaphore, #tpu.memory_space<semaphore_mem>>) {add = true}
    %dma_start3A_219 = arith.constant 0 : i32
    %dma_start3A_220 = arith.constant 0 : i32
    %dma_start3A_221 = arith.constant 0 : i32
    %dma_start3A_222 = tpu.memref_slice %arg6[%dma_start3A_219, %dma_start3A_221] : memref<14x128xf32, #tpu.memory_space<vmem>> -> memref<1x128xf32, #tpu.memory_space<vmem>>
    %dma_start3A_223 = tpu.memref_squeeze %dma_start3A_222 : memref<1x128xf32, #tpu.memory_space<vmem>> -> memref<128xf32, #tpu.memory_space<vmem>>
    %dma_start3A_224 = arith.constant 0 : i32
    %dma_start3A_225 = tpu.memref_slice %arg5[%dma_start3A_220, %dma_start3A_224] : memref<2x128xi32, #tpu.memory_space<vmem>> -> memref<1x128xi32, #tpu.memory_space<vmem>>
    %dma_start3A_226 = tpu.memref_squeeze %dma_start3A_225 : memref<1x128xi32, #tpu.memory_space<vmem>> -> memref<128xi32, #tpu.memory_space<vmem>>
    %dma_start3A_227 = arith.constant 0 : i32
    %dma_start3A_228 = tpu.memref_slice %arg11[%dma_start3A_227] : memref<70728xf32, #tpu.memory_space<vmem_shared>> -> memref<70728xf32, #tpu.memory_space<vmem_shared>>
    tpu.enqueue_indirect_dma source(%dma_start3A_223 : memref<128xf32, #tpu.memory_space<vmem>>) target(%dma_start3A_228 : memref<70728xf32, #tpu.memory_space<vmem_shared>>) offsets(%dma_start3A_226 : memref<128xi32, #tpu.memory_space<vmem>>) semaphore(%arg7 : memref<!tpu.dma_semaphore, #tpu.memory_space<semaphore_mem>>) {add = true}
    %dma_start3A_229 = arith.constant 2 : i32
    %dma_start3A_230 = arith.constant 0 : i32
    %dma_start3A_231 = arith.constant 0 : i32
    %dma_start3A_232 = tpu.memref_slice %arg6[%dma_start3A_229, %dma_start3A_231] : memref<14x128xf32, #tpu.memory_space<vmem>> -> memref<1x128xf32, #tpu.memory_space<vmem>>
    %dma_start3A_233 = tpu.memref_squeeze %dma_start3A_232 : memref<1x128xf32, #tpu.memory_space<vmem>> -> memref<128xf32, #tpu.memory_space<vmem>>
    %dma_start3A_234 = arith.constant 0 : i32
    %dma_start3A_235 = tpu.memref_slice %arg5[%dma_start3A_230, %dma_start3A_234] : memref<2x128xi32, #tpu.memory_space<vmem>> -> memref<1x128xi32, #tpu.memory_space<vmem>>
    %dma_start3A_236 = tpu.memref_squeeze %dma_start3A_235 : memref<1x128xi32, #tpu.memory_space<vmem>> -> memref<128xi32, #tpu.memory_space<vmem>>
    %dma_start3A_237 = arith.constant 0 : i32
    %dma_start3A_238 = tpu.memref_slice %arg12[%dma_start3A_237] : memref<70728xf32, #tpu.memory_space<vmem_shared>> -> memref<70728xf32, #tpu.memory_space<vmem_shared>>
    tpu.enqueue_indirect_dma source(%dma_start3A_233 : memref<128xf32, #tpu.memory_space<vmem>>) target(%dma_start3A_238 : memref<70728xf32, #tpu.memory_space<vmem_shared>>) offsets(%dma_start3A_236 : memref<128xi32, #tpu.memory_space<vmem>>) semaphore(%arg7 : memref<!tpu.dma_semaphore, #tpu.memory_space<semaphore_mem>>) {add = true}
    %dma_start3A_239 = arith.constant 4 : i32
    %dma_start3A_240 = arith.constant 1 : i32
    %dma_start3A_241 = arith.constant 0 : i32
    %dma_start3A_242 = tpu.memref_slice %arg6[%dma_start3A_239, %dma_start3A_241] : memref<14x128xf32, #tpu.memory_space<vmem>> -> memref<1x128xf32, #tpu.memory_space<vmem>>
    %dma_start3A_243 = tpu.memref_squeeze %dma_start3A_242 : memref<1x128xf32, #tpu.memory_space<vmem>> -> memref<128xf32, #tpu.memory_space<vmem>>
    %dma_start3A_244 = arith.constant 0 : i32
    %dma_start3A_245 = tpu.memref_slice %arg5[%dma_start3A_240, %dma_start3A_244] : memref<2x128xi32, #tpu.memory_space<vmem>> -> memref<1x128xi32, #tpu.memory_space<vmem>>
    %dma_start3A_246 = tpu.memref_squeeze %dma_start3A_245 : memref<1x128xi32, #tpu.memory_space<vmem>> -> memref<128xi32, #tpu.memory_space<vmem>>
    %dma_start3A_247 = arith.constant 0 : i32
    %dma_start3A_248 = tpu.memref_slice %arg10[%dma_start3A_247] : memref<70728xf32, #tpu.memory_space<vmem_shared>> -> memref<70728xf32, #tpu.memory_space<vmem_shared>>
    tpu.enqueue_indirect_dma source(%dma_start3A_243 : memref<128xf32, #tpu.memory_space<vmem>>) target(%dma_start3A_248 : memref<70728xf32, #tpu.memory_space<vmem_shared>>) offsets(%dma_start3A_246 : memref<128xi32, #tpu.memory_space<vmem>>) semaphore(%arg7 : memref<!tpu.dma_semaphore, #tpu.memory_space<semaphore_mem>>) {add = true}
    %dma_start3A_249 = arith.constant 1 : i32
    %dma_start3A_250 = arith.constant 1 : i32
    %dma_start3A_251 = arith.constant 0 : i32
    %dma_start3A_252 = tpu.memref_slice %arg6[%dma_start3A_249, %dma_start3A_251] : memref<14x128xf32, #tpu.memory_space<vmem>> -> memref<1x128xf32, #tpu.memory_space<vmem>>
    %dma_start3A_253 = tpu.memref_squeeze %dma_start3A_252 : memref<1x128xf32, #tpu.memory_space<vmem>> -> memref<128xf32, #tpu.memory_space<vmem>>
    %dma_start3A_254 = arith.constant 0 : i32
    %dma_start3A_255 = tpu.memref_slice %arg5[%dma_start3A_250, %dma_start3A_254] : memref<2x128xi32, #tpu.memory_space<vmem>> -> memref<1x128xi32, #tpu.memory_space<vmem>>
    %dma_start3A_256 = tpu.memref_squeeze %dma_start3A_255 : memref<1x128xi32, #tpu.memory_space<vmem>> -> memref<128xi32, #tpu.memory_space<vmem>>
    %dma_start3A_257 = arith.constant 0 : i32
    %dma_start3A_258 = tpu.memref_slice %arg11[%dma_start3A_257] : memref<70728xf32, #tpu.memory_space<vmem_shared>> -> memref<70728xf32, #tpu.memory_space<vmem_shared>>
    tpu.enqueue_indirect_dma source(%dma_start3A_253 : memref<128xf32, #tpu.memory_space<vmem>>) target(%dma_start3A_258 : memref<70728xf32, #tpu.memory_space<vmem_shared>>) offsets(%dma_start3A_256 : memref<128xi32, #tpu.memory_space<vmem>>) semaphore(%arg7 : memref<!tpu.dma_semaphore, #tpu.memory_space<semaphore_mem>>) {add = true}
    %dma_start3A_259 = arith.constant 3 : i32
    %dma_start3A_260 = arith.constant 1 : i32
    %dma_start3A_261 = arith.constant 0 : i32
    %dma_start3A_262 = tpu.memref_slice %arg6[%dma_start3A_259, %dma_start3A_261] : memref<14x128xf32, #tpu.memory_space<vmem>> -> memref<1x128xf32, #tpu.memory_space<vmem>>
    %dma_start3A_263 = tpu.memref_squeeze %dma_start3A_262 : memref<1x128xf32, #tpu.memory_space<vmem>> -> memref<128xf32, #tpu.memory_space<vmem>>
    %dma_start3A_264 = arith.constant 0 : i32
    %dma_start3A_265 = tpu.memref_slice %arg5[%dma_start3A_260, %dma_start3A_264] : memref<2x128xi32, #tpu.memory_space<vmem>> -> memref<1x128xi32, #tpu.memory_space<vmem>>
    %dma_start3A_266 = tpu.memref_squeeze %dma_start3A_265 : memref<1x128xi32, #tpu.memory_space<vmem>> -> memref<128xi32, #tpu.memory_space<vmem>>
    %dma_start3A_267 = arith.constant 0 : i32
    %dma_start3A_268 = tpu.memref_slice %arg12[%dma_start3A_267] : memref<70728xf32, #tpu.memory_space<vmem_shared>> -> memref<70728xf32, #tpu.memory_space<vmem_shared>>
    tpu.enqueue_indirect_dma source(%dma_start3A_263 : memref<128xf32, #tpu.memory_space<vmem>>) target(%dma_start3A_268 : memref<70728xf32, #tpu.memory_space<vmem_shared>>) offsets(%dma_start3A_266 : memref<128xi32, #tpu.memory_space<vmem>>) semaphore(%arg7 : memref<!tpu.dma_semaphore, #tpu.memory_space<semaphore_mem>>) {add = true}
    %dma_wait3A_269 = arith.constant 4 : i32
    %dma_wait3A_270 = arith.constant 0 : i32
    %dma_wait3A_271 = arith.constant 0 : i32
    %dma_wait3A_272 = tpu.memref_slice %arg6[%dma_wait3A_269, %dma_wait3A_271] : memref<14x128xf32, #tpu.memory_space<vmem>> -> memref<1x128xf32, #tpu.memory_space<vmem>>
    %dma_wait3A_273 = tpu.memref_squeeze %dma_wait3A_272 : memref<1x128xf32, #tpu.memory_space<vmem>> -> memref<128xf32, #tpu.memory_space<vmem>>
    %dma_wait3A_274 = arith.constant 0 : i32
    %dma_wait3A_275 = tpu.memref_slice %arg5[%dma_wait3A_270, %dma_wait3A_274] : memref<2x128xi32, #tpu.memory_space<vmem>> -> memref<1x128xi32, #tpu.memory_space<vmem>>
    %dma_wait3A_276 = tpu.memref_squeeze %dma_wait3A_275 : memref<1x128xi32, #tpu.memory_space<vmem>> -> memref<128xi32, #tpu.memory_space<vmem>>
    %dma_wait3A_277 = arith.constant 0 : i32
    %dma_wait3A_278 = tpu.memref_slice %arg10[%dma_wait3A_277] : memref<70728xf32, #tpu.memory_space<vmem_shared>> -> memref<70728xf32, #tpu.memory_space<vmem_shared>>
    tpu.wait_indirect_dma semaphore(%arg7 : memref<!tpu.dma_semaphore, #tpu.memory_space<semaphore_mem>>) src(%dma_wait3A_273 : memref<128xf32, #tpu.memory_space<vmem>>) dst(%dma_wait3A_278 : memref<70728xf32, #tpu.memory_space<vmem_shared>>)
    %dma_wait3A_279 = arith.constant 0 : i32
    %dma_wait3A_280 = arith.constant 0 : i32
    %dma_wait3A_281 = arith.constant 0 : i32
    %dma_wait3A_282 = tpu.memref_slice %arg6[%dma_wait3A_279, %dma_wait3A_281] : memref<14x128xf32, #tpu.memory_space<vmem>> -> memref<1x128xf32, #tpu.memory_space<vmem>>
    %dma_wait3A_283 = tpu.memref_squeeze %dma_wait3A_282 : memref<1x128xf32, #tpu.memory_space<vmem>> -> memref<128xf32, #tpu.memory_space<vmem>>
    %dma_wait3A_284 = arith.constant 0 : i32
    %dma_wait3A_285 = tpu.memref_slice %arg5[%dma_wait3A_280, %dma_wait3A_284] : memref<2x128xi32, #tpu.memory_space<vmem>> -> memref<1x128xi32, #tpu.memory_space<vmem>>
    %dma_wait3A_286 = tpu.memref_squeeze %dma_wait3A_285 : memref<1x128xi32, #tpu.memory_space<vmem>> -> memref<128xi32, #tpu.memory_space<vmem>>
    %dma_wait3A_287 = arith.constant 0 : i32
    %dma_wait3A_288 = tpu.memref_slice %arg11[%dma_wait3A_287] : memref<70728xf32, #tpu.memory_space<vmem_shared>> -> memref<70728xf32, #tpu.memory_space<vmem_shared>>
    tpu.wait_indirect_dma semaphore(%arg7 : memref<!tpu.dma_semaphore, #tpu.memory_space<semaphore_mem>>) src(%dma_wait3A_283 : memref<128xf32, #tpu.memory_space<vmem>>) dst(%dma_wait3A_288 : memref<70728xf32, #tpu.memory_space<vmem_shared>>)
    %dma_wait3A_289 = arith.constant 2 : i32
    %dma_wait3A_290 = arith.constant 0 : i32
    %dma_wait3A_291 = arith.constant 0 : i32
    %dma_wait3A_292 = tpu.memref_slice %arg6[%dma_wait3A_289, %dma_wait3A_291] : memref<14x128xf32, #tpu.memory_space<vmem>> -> memref<1x128xf32, #tpu.memory_space<vmem>>
    %dma_wait3A_293 = tpu.memref_squeeze %dma_wait3A_292 : memref<1x128xf32, #tpu.memory_space<vmem>> -> memref<128xf32, #tpu.memory_space<vmem>>
    %dma_wait3A_294 = arith.constant 0 : i32
    %dma_wait3A_295 = tpu.memref_slice %arg5[%dma_wait3A_290, %dma_wait3A_294] : memref<2x128xi32, #tpu.memory_space<vmem>> -> memref<1x128xi32, #tpu.memory_space<vmem>>
    %dma_wait3A_296 = tpu.memref_squeeze %dma_wait3A_295 : memref<1x128xi32, #tpu.memory_space<vmem>> -> memref<128xi32, #tpu.memory_space<vmem>>
    %dma_wait3A_297 = arith.constant 0 : i32
    %dma_wait3A_298 = tpu.memref_slice %arg12[%dma_wait3A_297] : memref<70728xf32, #tpu.memory_space<vmem_shared>> -> memref<70728xf32, #tpu.memory_space<vmem_shared>>
    tpu.wait_indirect_dma semaphore(%arg7 : memref<!tpu.dma_semaphore, #tpu.memory_space<semaphore_mem>>) src(%dma_wait3A_293 : memref<128xf32, #tpu.memory_space<vmem>>) dst(%dma_wait3A_298 : memref<70728xf32, #tpu.memory_space<vmem_shared>>)
    %dma_wait3A_299 = arith.constant 4 : i32
    %dma_wait3A_300 = arith.constant 1 : i32
    %dma_wait3A_301 = arith.constant 0 : i32
    %dma_wait3A_302 = tpu.memref_slice %arg6[%dma_wait3A_299, %dma_wait3A_301] : memref<14x128xf32, #tpu.memory_space<vmem>> -> memref<1x128xf32, #tpu.memory_space<vmem>>
    %dma_wait3A_303 = tpu.memref_squeeze %dma_wait3A_302 : memref<1x128xf32, #tpu.memory_space<vmem>> -> memref<128xf32, #tpu.memory_space<vmem>>
    %dma_wait3A_304 = arith.constant 0 : i32
    %dma_wait3A_305 = tpu.memref_slice %arg5[%dma_wait3A_300, %dma_wait3A_304] : memref<2x128xi32, #tpu.memory_space<vmem>> -> memref<1x128xi32, #tpu.memory_space<vmem>>
    %dma_wait3A_306 = tpu.memref_squeeze %dma_wait3A_305 : memref<1x128xi32, #tpu.memory_space<vmem>> -> memref<128xi32, #tpu.memory_space<vmem>>
    %dma_wait3A_307 = arith.constant 0 : i32
    %dma_wait3A_308 = tpu.memref_slice %arg10[%dma_wait3A_307] : memref<70728xf32, #tpu.memory_space<vmem_shared>> -> memref<70728xf32, #tpu.memory_space<vmem_shared>>
    tpu.wait_indirect_dma semaphore(%arg7 : memref<!tpu.dma_semaphore, #tpu.memory_space<semaphore_mem>>) src(%dma_wait3A_303 : memref<128xf32, #tpu.memory_space<vmem>>) dst(%dma_wait3A_308 : memref<70728xf32, #tpu.memory_space<vmem_shared>>)
    %dma_wait3A_309 = arith.constant 1 : i32
    %dma_wait3A_310 = arith.constant 1 : i32
    %dma_wait3A_311 = arith.constant 0 : i32
    %dma_wait3A_312 = tpu.memref_slice %arg6[%dma_wait3A_309, %dma_wait3A_311] : memref<14x128xf32, #tpu.memory_space<vmem>> -> memref<1x128xf32, #tpu.memory_space<vmem>>
    %dma_wait3A_313 = tpu.memref_squeeze %dma_wait3A_312 : memref<1x128xf32, #tpu.memory_space<vmem>> -> memref<128xf32, #tpu.memory_space<vmem>>
    %dma_wait3A_314 = arith.constant 0 : i32
    %dma_wait3A_315 = tpu.memref_slice %arg5[%dma_wait3A_310, %dma_wait3A_314] : memref<2x128xi32, #tpu.memory_space<vmem>> -> memref<1x128xi32, #tpu.memory_space<vmem>>
    %dma_wait3A_316 = tpu.memref_squeeze %dma_wait3A_315 : memref<1x128xi32, #tpu.memory_space<vmem>> -> memref<128xi32, #tpu.memory_space<vmem>>
    %dma_wait3A_317 = arith.constant 0 : i32
    %dma_wait3A_318 = tpu.memref_slice %arg11[%dma_wait3A_317] : memref<70728xf32, #tpu.memory_space<vmem_shared>> -> memref<70728xf32, #tpu.memory_space<vmem_shared>>
    tpu.wait_indirect_dma semaphore(%arg7 : memref<!tpu.dma_semaphore, #tpu.memory_space<semaphore_mem>>) src(%dma_wait3A_313 : memref<128xf32, #tpu.memory_space<vmem>>) dst(%dma_wait3A_318 : memref<70728xf32, #tpu.memory_space<vmem_shared>>)
    %dma_wait3A_319 = arith.constant 3 : i32
    %dma_wait3A_320 = arith.constant 1 : i32
    %dma_wait3A_321 = arith.constant 0 : i32
    %dma_wait3A_322 = tpu.memref_slice %arg6[%dma_wait3A_319, %dma_wait3A_321] : memref<14x128xf32, #tpu.memory_space<vmem>> -> memref<1x128xf32, #tpu.memory_space<vmem>>
    %dma_wait3A_323 = tpu.memref_squeeze %dma_wait3A_322 : memref<1x128xf32, #tpu.memory_space<vmem>> -> memref<128xf32, #tpu.memory_space<vmem>>
    %dma_wait3A_324 = arith.constant 0 : i32
    %dma_wait3A_325 = tpu.memref_slice %arg5[%dma_wait3A_320, %dma_wait3A_324] : memref<2x128xi32, #tpu.memory_space<vmem>> -> memref<1x128xi32, #tpu.memory_space<vmem>>
    %dma_wait3A_326 = tpu.memref_squeeze %dma_wait3A_325 : memref<1x128xi32, #tpu.memory_space<vmem>> -> memref<128xi32, #tpu.memory_space<vmem>>
    %dma_wait3A_327 = arith.constant 0 : i32
    %dma_wait3A_328 = tpu.memref_slice %arg12[%dma_wait3A_327] : memref<70728xf32, #tpu.memory_space<vmem_shared>> -> memref<70728xf32, #tpu.memory_space<vmem_shared>>
    tpu.wait_indirect_dma semaphore(%arg7 : memref<!tpu.dma_semaphore, #tpu.memory_space<semaphore_mem>>) src(%dma_wait3A_323 : memref<128xf32, #tpu.memory_space<vmem>>) dst(%dma_wait3A_328 : memref<70728xf32, #tpu.memory_space<vmem_shared>>)
    %barrier3A_329 = arith.constant 0 : index
    tpu.barrier barrier_id(%barrier3A_329)
    %dma_start3A_330 = arith.constant 0 : i32
    %dma_start3A_331 = arith.constant 6 : i32
    %dma_start3A_332 = arith.constant 0 : i32
    %dma_start3A_333 = tpu.memref_slice %arg6[%dma_start3A_331, %dma_start3A_332] : memref<14x128xf32, #tpu.memory_space<vmem>> -> memref<1x128xf32, #tpu.memory_space<vmem>>
    %dma_start3A_334 = tpu.memref_squeeze %dma_start3A_333 : memref<1x128xf32, #tpu.memory_space<vmem>> -> memref<128xf32, #tpu.memory_space<vmem>>
    %dma_start3A_335 = arith.constant 0 : i32
    %dma_start3A_336 = tpu.memref_slice %arg5[%dma_start3A_330, %dma_start3A_335] : memref<2x128xi32, #tpu.memory_space<vmem>> -> memref<1x128xi32, #tpu.memory_space<vmem>>
    %dma_start3A_337 = tpu.memref_squeeze %dma_start3A_336 : memref<1x128xi32, #tpu.memory_space<vmem>> -> memref<128xi32, #tpu.memory_space<vmem>>
    %dma_start3A_338 = arith.constant 0 : i32
    %dma_start3A_339 = tpu.memref_slice %arg10[%dma_start3A_338] : memref<70728xf32, #tpu.memory_space<vmem_shared>> -> memref<70728xf32, #tpu.memory_space<vmem_shared>>
    tpu.enqueue_indirect_dma source(%dma_start3A_339 : memref<70728xf32, #tpu.memory_space<vmem_shared>>) target(%dma_start3A_334 : memref<128xf32, #tpu.memory_space<vmem>>) offsets(%dma_start3A_337 : memref<128xi32, #tpu.memory_space<vmem>>) semaphore(%arg8 : memref<!tpu.dma_semaphore, #tpu.memory_space<semaphore_mem>>)
    %dma_start3A_340 = arith.constant 0 : i32
    %dma_start3A_341 = arith.constant 8 : i32
    %dma_start3A_342 = arith.constant 0 : i32
    %dma_start3A_343 = tpu.memref_slice %arg6[%dma_start3A_341, %dma_start3A_342] : memref<14x128xf32, #tpu.memory_space<vmem>> -> memref<1x128xf32, #tpu.memory_space<vmem>>
    %dma_start3A_344 = tpu.memref_squeeze %dma_start3A_343 : memref<1x128xf32, #tpu.memory_space<vmem>> -> memref<128xf32, #tpu.memory_space<vmem>>
    %dma_start3A_345 = arith.constant 0 : i32
    %dma_start3A_346 = tpu.memref_slice %arg5[%dma_start3A_340, %dma_start3A_345] : memref<2x128xi32, #tpu.memory_space<vmem>> -> memref<1x128xi32, #tpu.memory_space<vmem>>
    %dma_start3A_347 = tpu.memref_squeeze %dma_start3A_346 : memref<1x128xi32, #tpu.memory_space<vmem>> -> memref<128xi32, #tpu.memory_space<vmem>>
    %dma_start3A_348 = arith.constant 0 : i32
    %dma_start3A_349 = tpu.memref_slice %arg11[%dma_start3A_348] : memref<70728xf32, #tpu.memory_space<vmem_shared>> -> memref<70728xf32, #tpu.memory_space<vmem_shared>>
    tpu.enqueue_indirect_dma source(%dma_start3A_349 : memref<70728xf32, #tpu.memory_space<vmem_shared>>) target(%dma_start3A_344 : memref<128xf32, #tpu.memory_space<vmem>>) offsets(%dma_start3A_347 : memref<128xi32, #tpu.memory_space<vmem>>) semaphore(%arg8 : memref<!tpu.dma_semaphore, #tpu.memory_space<semaphore_mem>>)
    %dma_start3A_350 = arith.constant 0 : i32
    %dma_start3A_351 = arith.constant 10 : i32
    %dma_start3A_352 = arith.constant 0 : i32
    %dma_start3A_353 = tpu.memref_slice %arg6[%dma_start3A_351, %dma_start3A_352] : memref<14x128xf32, #tpu.memory_space<vmem>> -> memref<1x128xf32, #tpu.memory_space<vmem>>
    %dma_start3A_354 = tpu.memref_squeeze %dma_start3A_353 : memref<1x128xf32, #tpu.memory_space<vmem>> -> memref<128xf32, #tpu.memory_space<vmem>>
    %dma_start3A_355 = arith.constant 0 : i32
    %dma_start3A_356 = tpu.memref_slice %arg5[%dma_start3A_350, %dma_start3A_355] : memref<2x128xi32, #tpu.memory_space<vmem>> -> memref<1x128xi32, #tpu.memory_space<vmem>>
    %dma_start3A_357 = tpu.memref_squeeze %dma_start3A_356 : memref<1x128xi32, #tpu.memory_space<vmem>> -> memref<128xi32, #tpu.memory_space<vmem>>
    %dma_start3A_358 = arith.constant 0 : i32
    %dma_start3A_359 = tpu.memref_slice %arg12[%dma_start3A_358] : memref<70728xf32, #tpu.memory_space<vmem_shared>> -> memref<70728xf32, #tpu.memory_space<vmem_shared>>
    tpu.enqueue_indirect_dma source(%dma_start3A_359 : memref<70728xf32, #tpu.memory_space<vmem_shared>>) target(%dma_start3A_354 : memref<128xf32, #tpu.memory_space<vmem>>) offsets(%dma_start3A_357 : memref<128xi32, #tpu.memory_space<vmem>>) semaphore(%arg8 : memref<!tpu.dma_semaphore, #tpu.memory_space<semaphore_mem>>)
    %dma_start3A_360 = arith.constant 1 : i32
    %dma_start3A_361 = arith.constant 7 : i32
    %dma_start3A_362 = arith.constant 0 : i32
    %dma_start3A_363 = tpu.memref_slice %arg6[%dma_start3A_361, %dma_start3A_362] : memref<14x128xf32, #tpu.memory_space<vmem>> -> memref<1x128xf32, #tpu.memory_space<vmem>>
    %dma_start3A_364 = tpu.memref_squeeze %dma_start3A_363 : memref<1x128xf32, #tpu.memory_space<vmem>> -> memref<128xf32, #tpu.memory_space<vmem>>
    %dma_start3A_365 = arith.constant 0 : i32
    %dma_start3A_366 = tpu.memref_slice %arg5[%dma_start3A_360, %dma_start3A_365] : memref<2x128xi32, #tpu.memory_space<vmem>> -> memref<1x128xi32, #tpu.memory_space<vmem>>
    %dma_start3A_367 = tpu.memref_squeeze %dma_start3A_366 : memref<1x128xi32, #tpu.memory_space<vmem>> -> memref<128xi32, #tpu.memory_space<vmem>>
    %dma_start3A_368 = arith.constant 0 : i32
    %dma_start3A_369 = tpu.memref_slice %arg10[%dma_start3A_368] : memref<70728xf32, #tpu.memory_space<vmem_shared>> -> memref<70728xf32, #tpu.memory_space<vmem_shared>>
    tpu.enqueue_indirect_dma source(%dma_start3A_369 : memref<70728xf32, #tpu.memory_space<vmem_shared>>) target(%dma_start3A_364 : memref<128xf32, #tpu.memory_space<vmem>>) offsets(%dma_start3A_367 : memref<128xi32, #tpu.memory_space<vmem>>) semaphore(%arg8 : memref<!tpu.dma_semaphore, #tpu.memory_space<semaphore_mem>>)
    %dma_start3A_370 = arith.constant 1 : i32
    %dma_start3A_371 = arith.constant 9 : i32
    %dma_start3A_372 = arith.constant 0 : i32
    %dma_start3A_373 = tpu.memref_slice %arg6[%dma_start3A_371, %dma_start3A_372] : memref<14x128xf32, #tpu.memory_space<vmem>> -> memref<1x128xf32, #tpu.memory_space<vmem>>
    %dma_start3A_374 = tpu.memref_squeeze %dma_start3A_373 : memref<1x128xf32, #tpu.memory_space<vmem>> -> memref<128xf32, #tpu.memory_space<vmem>>
    %dma_start3A_375 = arith.constant 0 : i32
    %dma_start3A_376 = tpu.memref_slice %arg5[%dma_start3A_370, %dma_start3A_375] : memref<2x128xi32, #tpu.memory_space<vmem>> -> memref<1x128xi32, #tpu.memory_space<vmem>>
    %dma_start3A_377 = tpu.memref_squeeze %dma_start3A_376 : memref<1x128xi32, #tpu.memory_space<vmem>> -> memref<128xi32, #tpu.memory_space<vmem>>
    %dma_start3A_378 = arith.constant 0 : i32
    %dma_start3A_379 = tpu.memref_slice %arg11[%dma_start3A_378] : memref<70728xf32, #tpu.memory_space<vmem_shared>> -> memref<70728xf32, #tpu.memory_space<vmem_shared>>
    tpu.enqueue_indirect_dma source(%dma_start3A_379 : memref<70728xf32, #tpu.memory_space<vmem_shared>>) target(%dma_start3A_374 : memref<128xf32, #tpu.memory_space<vmem>>) offsets(%dma_start3A_377 : memref<128xi32, #tpu.memory_space<vmem>>) semaphore(%arg8 : memref<!tpu.dma_semaphore, #tpu.memory_space<semaphore_mem>>)
    %dma_start3A_380 = arith.constant 1 : i32
    %dma_start3A_381 = arith.constant 11 : i32
    %dma_start3A_382 = arith.constant 0 : i32
    %dma_start3A_383 = tpu.memref_slice %arg6[%dma_start3A_381, %dma_start3A_382] : memref<14x128xf32, #tpu.memory_space<vmem>> -> memref<1x128xf32, #tpu.memory_space<vmem>>
    %dma_start3A_384 = tpu.memref_squeeze %dma_start3A_383 : memref<1x128xf32, #tpu.memory_space<vmem>> -> memref<128xf32, #tpu.memory_space<vmem>>
    %dma_start3A_385 = arith.constant 0 : i32
    %dma_start3A_386 = tpu.memref_slice %arg5[%dma_start3A_380, %dma_start3A_385] : memref<2x128xi32, #tpu.memory_space<vmem>> -> memref<1x128xi32, #tpu.memory_space<vmem>>
    %dma_start3A_387 = tpu.memref_squeeze %dma_start3A_386 : memref<1x128xi32, #tpu.memory_space<vmem>> -> memref<128xi32, #tpu.memory_space<vmem>>
    %dma_start3A_388 = arith.constant 0 : i32
    %dma_start3A_389 = tpu.memref_slice %arg12[%dma_start3A_388] : memref<70728xf32, #tpu.memory_space<vmem_shared>> -> memref<70728xf32, #tpu.memory_space<vmem_shared>>
    tpu.enqueue_indirect_dma source(%dma_start3A_389 : memref<70728xf32, #tpu.memory_space<vmem_shared>>) target(%dma_start3A_384 : memref<128xf32, #tpu.memory_space<vmem>>) offsets(%dma_start3A_387 : memref<128xi32, #tpu.memory_space<vmem>>) semaphore(%arg8 : memref<!tpu.dma_semaphore, #tpu.memory_space<semaphore_mem>>)
    %dma_wait3A_390 = arith.constant 0 : i32
    %dma_wait3A_391 = arith.constant 6 : i32
    %dma_wait3A_392 = arith.constant 0 : i32
    %dma_wait3A_393 = tpu.memref_slice %arg6[%dma_wait3A_391, %dma_wait3A_392] : memref<14x128xf32, #tpu.memory_space<vmem>> -> memref<1x128xf32, #tpu.memory_space<vmem>>
    %dma_wait3A_394 = tpu.memref_squeeze %dma_wait3A_393 : memref<1x128xf32, #tpu.memory_space<vmem>> -> memref<128xf32, #tpu.memory_space<vmem>>
    %dma_wait3A_395 = arith.constant 0 : i32
    %dma_wait3A_396 = tpu.memref_slice %arg5[%dma_wait3A_390, %dma_wait3A_395] : memref<2x128xi32, #tpu.memory_space<vmem>> -> memref<1x128xi32, #tpu.memory_space<vmem>>
    %dma_wait3A_397 = tpu.memref_squeeze %dma_wait3A_396 : memref<1x128xi32, #tpu.memory_space<vmem>> -> memref<128xi32, #tpu.memory_space<vmem>>
    %dma_wait3A_398 = arith.constant 0 : i32
    %dma_wait3A_399 = tpu.memref_slice %arg10[%dma_wait3A_398] : memref<70728xf32, #tpu.memory_space<vmem_shared>> -> memref<70728xf32, #tpu.memory_space<vmem_shared>>
    tpu.wait_indirect_dma semaphore(%arg8 : memref<!tpu.dma_semaphore, #tpu.memory_space<semaphore_mem>>) src(%dma_wait3A_399 : memref<70728xf32, #tpu.memory_space<vmem_shared>>) dst(%dma_wait3A_394 : memref<128xf32, #tpu.memory_space<vmem>>)
    %dma_wait3A_400 = arith.constant 0 : i32
    %dma_wait3A_401 = arith.constant 8 : i32
    %dma_wait3A_402 = arith.constant 0 : i32
    %dma_wait3A_403 = tpu.memref_slice %arg6[%dma_wait3A_401, %dma_wait3A_402] : memref<14x128xf32, #tpu.memory_space<vmem>> -> memref<1x128xf32, #tpu.memory_space<vmem>>
    %dma_wait3A_404 = tpu.memref_squeeze %dma_wait3A_403 : memref<1x128xf32, #tpu.memory_space<vmem>> -> memref<128xf32, #tpu.memory_space<vmem>>
    %dma_wait3A_405 = arith.constant 0 : i32
    %dma_wait3A_406 = tpu.memref_slice %arg5[%dma_wait3A_400, %dma_wait3A_405] : memref<2x128xi32, #tpu.memory_space<vmem>> -> memref<1x128xi32, #tpu.memory_space<vmem>>
    %dma_wait3A_407 = tpu.memref_squeeze %dma_wait3A_406 : memref<1x128xi32, #tpu.memory_space<vmem>> -> memref<128xi32, #tpu.memory_space<vmem>>
    %dma_wait3A_408 = arith.constant 0 : i32
    %dma_wait3A_409 = tpu.memref_slice %arg11[%dma_wait3A_408] : memref<70728xf32, #tpu.memory_space<vmem_shared>> -> memref<70728xf32, #tpu.memory_space<vmem_shared>>
    tpu.wait_indirect_dma semaphore(%arg8 : memref<!tpu.dma_semaphore, #tpu.memory_space<semaphore_mem>>) src(%dma_wait3A_409 : memref<70728xf32, #tpu.memory_space<vmem_shared>>) dst(%dma_wait3A_404 : memref<128xf32, #tpu.memory_space<vmem>>)
    %dma_wait3A_410 = arith.constant 0 : i32
    %dma_wait3A_411 = arith.constant 10 : i32
    %dma_wait3A_412 = arith.constant 0 : i32
    %dma_wait3A_413 = tpu.memref_slice %arg6[%dma_wait3A_411, %dma_wait3A_412] : memref<14x128xf32, #tpu.memory_space<vmem>> -> memref<1x128xf32, #tpu.memory_space<vmem>>
    %dma_wait3A_414 = tpu.memref_squeeze %dma_wait3A_413 : memref<1x128xf32, #tpu.memory_space<vmem>> -> memref<128xf32, #tpu.memory_space<vmem>>
    %dma_wait3A_415 = arith.constant 0 : i32
    %dma_wait3A_416 = tpu.memref_slice %arg5[%dma_wait3A_410, %dma_wait3A_415] : memref<2x128xi32, #tpu.memory_space<vmem>> -> memref<1x128xi32, #tpu.memory_space<vmem>>
    %dma_wait3A_417 = tpu.memref_squeeze %dma_wait3A_416 : memref<1x128xi32, #tpu.memory_space<vmem>> -> memref<128xi32, #tpu.memory_space<vmem>>
    %dma_wait3A_418 = arith.constant 0 : i32
    %dma_wait3A_419 = tpu.memref_slice %arg12[%dma_wait3A_418] : memref<70728xf32, #tpu.memory_space<vmem_shared>> -> memref<70728xf32, #tpu.memory_space<vmem_shared>>
    tpu.wait_indirect_dma semaphore(%arg8 : memref<!tpu.dma_semaphore, #tpu.memory_space<semaphore_mem>>) src(%dma_wait3A_419 : memref<70728xf32, #tpu.memory_space<vmem_shared>>) dst(%dma_wait3A_414 : memref<128xf32, #tpu.memory_space<vmem>>)
    %dma_wait3A_420 = arith.constant 1 : i32
    %dma_wait3A_421 = arith.constant 7 : i32
    %dma_wait3A_422 = arith.constant 0 : i32
    %dma_wait3A_423 = tpu.memref_slice %arg6[%dma_wait3A_421, %dma_wait3A_422] : memref<14x128xf32, #tpu.memory_space<vmem>> -> memref<1x128xf32, #tpu.memory_space<vmem>>
    %dma_wait3A_424 = tpu.memref_squeeze %dma_wait3A_423 : memref<1x128xf32, #tpu.memory_space<vmem>> -> memref<128xf32, #tpu.memory_space<vmem>>
    %dma_wait3A_425 = arith.constant 0 : i32
    %dma_wait3A_426 = tpu.memref_slice %arg5[%dma_wait3A_420, %dma_wait3A_425] : memref<2x128xi32, #tpu.memory_space<vmem>> -> memref<1x128xi32, #tpu.memory_space<vmem>>
    %dma_wait3A_427 = tpu.memref_squeeze %dma_wait3A_426 : memref<1x128xi32, #tpu.memory_space<vmem>> -> memref<128xi32, #tpu.memory_space<vmem>>
    %dma_wait3A_428 = arith.constant 0 : i32
    %dma_wait3A_429 = tpu.memref_slice %arg10[%dma_wait3A_428] : memref<70728xf32, #tpu.memory_space<vmem_shared>> -> memref<70728xf32, #tpu.memory_space<vmem_shared>>
    tpu.wait_indirect_dma semaphore(%arg8 : memref<!tpu.dma_semaphore, #tpu.memory_space<semaphore_mem>>) src(%dma_wait3A_429 : memref<70728xf32, #tpu.memory_space<vmem_shared>>) dst(%dma_wait3A_424 : memref<128xf32, #tpu.memory_space<vmem>>)
    %dma_wait3A_430 = arith.constant 1 : i32
    %dma_wait3A_431 = arith.constant 9 : i32
    %dma_wait3A_432 = arith.constant 0 : i32
    %dma_wait3A_433 = tpu.memref_slice %arg6[%dma_wait3A_431, %dma_wait3A_432] : memref<14x128xf32, #tpu.memory_space<vmem>> -> memref<1x128xf32, #tpu.memory_space<vmem>>
    %dma_wait3A_434 = tpu.memref_squeeze %dma_wait3A_433 : memref<1x128xf32, #tpu.memory_space<vmem>> -> memref<128xf32, #tpu.memory_space<vmem>>
    %dma_wait3A_435 = arith.constant 0 : i32
    %dma_wait3A_436 = tpu.memref_slice %arg5[%dma_wait3A_430, %dma_wait3A_435] : memref<2x128xi32, #tpu.memory_space<vmem>> -> memref<1x128xi32, #tpu.memory_space<vmem>>
    %dma_wait3A_437 = tpu.memref_squeeze %dma_wait3A_436 : memref<1x128xi32, #tpu.memory_space<vmem>> -> memref<128xi32, #tpu.memory_space<vmem>>
    %dma_wait3A_438 = arith.constant 0 : i32
    %dma_wait3A_439 = tpu.memref_slice %arg11[%dma_wait3A_438] : memref<70728xf32, #tpu.memory_space<vmem_shared>> -> memref<70728xf32, #tpu.memory_space<vmem_shared>>
    tpu.wait_indirect_dma semaphore(%arg8 : memref<!tpu.dma_semaphore, #tpu.memory_space<semaphore_mem>>) src(%dma_wait3A_439 : memref<70728xf32, #tpu.memory_space<vmem_shared>>) dst(%dma_wait3A_434 : memref<128xf32, #tpu.memory_space<vmem>>)
    %dma_wait3A_440 = arith.constant 1 : i32
    %dma_wait3A_441 = arith.constant 11 : i32
    %dma_wait3A_442 = arith.constant 0 : i32
    %dma_wait3A_443 = tpu.memref_slice %arg6[%dma_wait3A_441, %dma_wait3A_442] : memref<14x128xf32, #tpu.memory_space<vmem>> -> memref<1x128xf32, #tpu.memory_space<vmem>>
    %dma_wait3A_444 = tpu.memref_squeeze %dma_wait3A_443 : memref<1x128xf32, #tpu.memory_space<vmem>> -> memref<128xf32, #tpu.memory_space<vmem>>
    %dma_wait3A_445 = arith.constant 0 : i32
    %dma_wait3A_446 = tpu.memref_slice %arg5[%dma_wait3A_440, %dma_wait3A_445] : memref<2x128xi32, #tpu.memory_space<vmem>> -> memref<1x128xi32, #tpu.memory_space<vmem>>
    %dma_wait3A_447 = tpu.memref_squeeze %dma_wait3A_446 : memref<1x128xi32, #tpu.memory_space<vmem>> -> memref<128xi32, #tpu.memory_space<vmem>>
    %dma_wait3A_448 = arith.constant 0 : i32
    %dma_wait3A_449 = tpu.memref_slice %arg12[%dma_wait3A_448] : memref<70728xf32, #tpu.memory_space<vmem_shared>> -> memref<70728xf32, #tpu.memory_space<vmem_shared>>
    tpu.wait_indirect_dma semaphore(%arg8 : memref<!tpu.dma_semaphore, #tpu.memory_space<semaphore_mem>>) src(%dma_wait3A_449 : memref<70728xf32, #tpu.memory_space<vmem_shared>>) dst(%dma_wait3A_444 : memref<128xf32, #tpu.memory_space<vmem>>)
    %scan3A_450 = arith.constant 0 : i32
    %scan3A_451 = arith.constant 0 : i32
    %scan3A_452 = arith.constant 8 : i32
    %scan3A_453 = arith.addi %scan3A_451, %scan3A_452 : i32
    %scan3A_454 = arith.constant 1 : i32
    %scan3A_455 = scf.for %scan3A_466 = %scan3A_451 to %scan3A_453 step %scan3A_454 iter_args(%scan3A_467 = %scan3A_450) -> (i32)  : i32 {
      %mul3A_468 = arith.constant 16 : i32
      %mul3A_469 = arith.muli %scan3A_466, %mul3A_468 : i32
      %get3A = arith.constant 6 : i32
      %get3A_470 = arith.index_cast %get3A : i32 to index
      %get3A_471 = arith.index_cast %mul3A_469 : i32 to index
      %get3A_472 = tpu.vector_load %arg6[%get3A_470, %get3A_471] {strides = array<i32>} : memref<14x128xf32, #tpu.memory_space<vmem>>, vector<1x16xf32>,
      %get3A_473 = vector.shape_cast %get3A_472 : vector<1x16xf32> to vector<16xf32>
      %get3A_474 = arith.constant 8 : i32
      %get3A_475 = arith.index_cast %get3A_474 : i32 to index
      %get3A_476 = arith.index_cast %mul3A_469 : i32 to index
      %get3A_477 = tpu.vector_load %arg6[%get3A_475, %get3A_476] {strides = array<i32>} : memref<14x128xf32, #tpu.memory_space<vmem>>, vector<1x16xf32>,
      %get3A_478 = vector.shape_cast %get3A_477 : vector<1x16xf32> to vector<16xf32>
      %get3A_479 = arith.constant 10 : i32
      %get3A_480 = arith.index_cast %get3A_479 : i32 to index
      %get3A_481 = arith.index_cast %mul3A_469 : i32 to index
      %get3A_482 = tpu.vector_load %arg6[%get3A_480, %get3A_481] {strides = array<i32>} : memref<14x128xf32, #tpu.memory_space<vmem>>, vector<1x16xf32>,
      %get3A_483 = vector.shape_cast %get3A_482 : vector<1x16xf32> to vector<16xf32>
      %get3A_484 = arith.constant 0 : i32
      %get3A_485 = arith.index_cast %get3A_484 : i32 to index
      %get3A_486 = arith.index_cast %mul3A_469 : i32 to index
      %get3A_487 = tpu.vector_load %arg6[%get3A_485, %get3A_486] {strides = array<i32>} : memref<14x128xf32, #tpu.memory_space<vmem>>, vector<1x16xf32>,
      %get3A_488 = vector.shape_cast %get3A_487 : vector<1x16xf32> to vector<16xf32>
      %max3A = arith.constant 1.000000e+00 : f32
      %max3A_489 = vector.broadcast %max3A : f32 to vector<16xf32>
      %max3A_490 = arith.maximumf %get3A_473, %max3A_489 : vector<16xf32>
      %div3A = arith.divf %get3A_478, %max3A_490 : vector<16xf32>
      %mul3A_491 = arith.mulf %get3A_473, %div3A : vector<16xf32>
      %mul3A_492 = arith.mulf %mul3A_491, %div3A : vector<16xf32>
      %sub3A = arith.subf %get3A_483, %mul3A_492 : vector<16xf32>
      %sub3A_493 = arith.constant 1.000000e+00 : f32
      %sub3A_494 = vector.broadcast %sub3A_493 : f32 to vector<16xf32>
      %sub3A_495 = arith.subf %get3A_473, %sub3A_494 : vector<16xf32>
      %max3A_496 = arith.constant 1.000000e+00 : f32
      %max3A_497 = vector.broadcast %max3A_496 : f32 to vector<16xf32>
      %max3A_498 = arith.maximumf %sub3A_495, %max3A_497 : vector<16xf32>
      %div3A_499 = arith.divf %sub3A, %max3A_498 : vector<16xf32>
      %max3A_500 = arith.constant 0.000000e+00 : f32
      %max3A_501 = vector.broadcast %max3A_500 : f32 to vector<16xf32>
      %max3A_502 = arith.maximumf %div3A_499, %max3A_501 : vector<16xf32>
      %max3A_503 = arith.constant 1.000000e-30 : f32
      %max3A_504 = vector.broadcast %max3A_503 : f32 to vector<16xf32>
      %max3A_505 = arith.maximumf %max3A_502, %max3A_504 : vector<16xf32>
      %bitcast_convert_type3A = tpu.bitcast %max3A_505 : vector<16xf32> -> vector<16xi32>
      %shift_right_logical3A = arith.constant 1 : i32
      %shift_right_logical3A_506 = vector.broadcast %shift_right_logical3A : i32 to vector<16xi32>
      %shift_right_logical3A_507 = arith.shrui %bitcast_convert_type3A, %shift_right_logical3A_506 : vector<16xi32>
      %sub3A_508 = arith.constant 1597463007 : i32
      %sub3A_509 = vector.broadcast %sub3A_508 : i32 to vector<16xi32>
      %sub3A_510 = arith.subi %sub3A_509, %shift_right_logical3A_507 : vector<16xi32>
      %bitcast_convert_type3A_511 = tpu.bitcast %sub3A_510 : vector<16xi32> -> vector<16xf32>
      %mul3A_512 = arith.constant 5.000000e-01 : f32
      %mul3A_513 = vector.broadcast %mul3A_512 : f32 to vector<16xf32>
      %mul3A_514 = arith.mulf %mul3A_513, %max3A_505 : vector<16xf32>
      %mul3A_515 = arith.mulf %mul3A_514, %bitcast_convert_type3A_511 : vector<16xf32>
      %mul3A_516 = arith.mulf %mul3A_515, %bitcast_convert_type3A_511 : vector<16xf32>
      %sub3A_517 = arith.constant 1.500000e+00 : f32
      %sub3A_518 = vector.broadcast %sub3A_517 : f32 to vector<16xf32>
      %sub3A_519 = arith.subf %sub3A_518, %mul3A_516 : vector<16xf32>
      %mul3A_520 = arith.mulf %bitcast_convert_type3A_511, %sub3A_519 : vector<16xf32>
      %mul3A_521 = arith.constant 5.000000e-01 : f32
      %mul3A_522 = vector.broadcast %mul3A_521 : f32 to vector<16xf32>
      %mul3A_523 = arith.mulf %mul3A_522, %max3A_505 : vector<16xf32>
      %mul3A_524 = arith.mulf %mul3A_523, %mul3A_520 : vector<16xf32>
      %mul3A_525 = arith.mulf %mul3A_524, %mul3A_520 : vector<16xf32>
      %sub3A_526 = arith.constant 1.500000e+00 : f32
      %sub3A_527 = vector.broadcast %sub3A_526 : f32 to vector<16xf32>
      %sub3A_528 = arith.subf %sub3A_527, %mul3A_525 : vector<16xf32>
      %mul3A_529 = arith.mulf %mul3A_520, %sub3A_528 : vector<16xf32>
      %mul3A_530 = arith.constant 5.000000e-01 : f32
      %mul3A_531 = vector.broadcast %mul3A_530 : f32 to vector<16xf32>
      %mul3A_532 = arith.mulf %mul3A_531, %max3A_505 : vector<16xf32>
      %mul3A_533 = arith.mulf %mul3A_532, %mul3A_529 : vector<16xf32>
      %mul3A_534 = arith.mulf %mul3A_533, %mul3A_529 : vector<16xf32>
      %sub3A_535 = arith.constant 1.500000e+00 : f32
      %sub3A_536 = vector.broadcast %sub3A_535 : f32 to vector<16xf32>
      %sub3A_537 = arith.subf %sub3A_536, %mul3A_534 : vector<16xf32>
      %mul3A_538 = arith.mulf %mul3A_529, %sub3A_537 : vector<16xf32>
      %mul3A_539 = arith.mulf %max3A_502, %mul3A_538 : vector<16xf32>
      %sub3A_540 = arith.subf %get3A_488, %div3A : vector<16xf32>
      %gt3A = arith.constant 2.000000e+00 : f32
      %gt3A_541 = vector.broadcast %gt3A : f32 to vector<16xf32>
      %gt3A_542 = arith.cmpf ogt, %get3A_473, %gt3A_541 : vector<16xf32>
      %add3A_543 = arith.constant 1.000000e-03 : f32
      %add3A_544 = vector.broadcast %add3A_543 : f32 to vector<16xf32>
      %add3A_545 = arith.addf %mul3A_539, %add3A_544 : vector<16xf32>
      %div3A_546 = arith.divf %sub3A_540, %add3A_545 : vector<16xf32>
      %div3A_547 = arith.constant 2.000000e+01 : f32
      %div3A_548 = vector.broadcast %div3A_547 : f32 to vector<16xf32>
      %div3A_549 = arith.divf %sub3A_540, %div3A_548 : vector<16xf32>
      %select_n3A = arith.select %gt3A_542, %div3A_546, %div3A_549 : vector<16xi1>, vector<16xf32>
      %swap3A = arith.constant 12 : i32
      %swap3A_550 = arith.index_cast %swap3A : i32 to index
      %swap3A_551 = arith.index_cast %mul3A_469 : i32 to index
      %swap3A_552 = tpu.vector_load %arg6[%swap3A_550, %swap3A_551] {strides = array<i32>} : memref<14x128xf32, #tpu.memory_space<vmem>>, vector<1x16xf32>,
      %swap3A_553 = vector.shape_cast %swap3A_552 : vector<1x16xf32> to vector<16xf32>
      %swap3A_554 = vector.shape_cast %select_n3A : vector<16xf32> to vector<1x16xf32>
      tpu.vector_store %arg6[%swap3A_550, %swap3A_551], %swap3A_554 {strides = array<i32>} : memref<14x128xf32, #tpu.memory_space<vmem>>, vector<1x16xf32>,
      %get3A_555 = arith.constant 7 : i32
      %get3A_556 = arith.index_cast %get3A_555 : i32 to index
      %get3A_557 = arith.index_cast %mul3A_469 : i32 to index
      %get3A_558 = tpu.vector_load %arg6[%get3A_556, %get3A_557] {strides = array<i32>} : memref<14x128xf32, #tpu.memory_space<vmem>>, vector<1x16xf32>,
      %get3A_559 = vector.shape_cast %get3A_558 : vector<1x16xf32> to vector<16xf32>
      %get3A_560 = arith.constant 9 : i32
      %get3A_561 = arith.index_cast %get3A_560 : i32 to index
      %get3A_562 = arith.index_cast %mul3A_469 : i32 to index
      %get3A_563 = tpu.vector_load %arg6[%get3A_561, %get3A_562] {strides = array<i32>} : memref<14x128xf32, #tpu.memory_space<vmem>>, vector<1x16xf32>,
      %get3A_564 = vector.shape_cast %get3A_563 : vector<1x16xf32> to vector<16xf32>
      %get3A_565 = arith.constant 11 : i32
      %get3A_566 = arith.index_cast %get3A_565 : i32 to index
      %get3A_567 = arith.index_cast %mul3A_469 : i32 to index
      %get3A_568 = tpu.vector_load %arg6[%get3A_566, %get3A_567] {strides = array<i32>} : memref<14x128xf32, #tpu.memory_space<vmem>>, vector<1x16xf32>,
      %get3A_569 = vector.shape_cast %get3A_568 : vector<1x16xf32> to vector<16xf32>
      %get3A_570 = arith.constant 1 : i32
      %get3A_571 = arith.index_cast %get3A_570 : i32 to index
      %get3A_572 = arith.index_cast %mul3A_469 : i32 to index
      %get3A_573 = tpu.vector_load %arg6[%get3A_571, %get3A_572] {strides = array<i32>} : memref<14x128xf32, #tpu.memory_space<vmem>>, vector<1x16xf32>,
      %get3A_574 = vector.shape_cast %get3A_573 : vector<1x16xf32> to vector<16xf32>
      %max3A_575 = arith.constant 1.000000e+00 : f32
      %max3A_576 = vector.broadcast %max3A_575 : f32 to vector<16xf32>
      %max3A_577 = arith.maximumf %get3A_559, %max3A_576 : vector<16xf32>
      %div3A_578 = arith.divf %get3A_564, %max3A_577 : vector<16xf32>
      %mul3A_579 = arith.mulf %get3A_559, %div3A_578 : vector<16xf32>
      %mul3A_580 = arith.mulf %mul3A_579, %div3A_578 : vector<16xf32>
      %sub3A_581 = arith.subf %get3A_569, %mul3A_580 : vector<16xf32>
      %sub3A_582 = arith.constant 1.000000e+00 : f32
      %sub3A_583 = vector.broadcast %sub3A_582 : f32 to vector<16xf32>
      %sub3A_584 = arith.subf %get3A_559, %sub3A_583 : vector<16xf32>
      %max3A_585 = arith.constant 1.000000e+00 : f32
      %max3A_586 = vector.broadcast %max3A_585 : f32 to vector<16xf32>
      %max3A_587 = arith.maximumf %sub3A_584, %max3A_586 : vector<16xf32>
      %div3A_588 = arith.divf %sub3A_581, %max3A_587 : vector<16xf32>
      %max3A_589 = arith.constant 0.000000e+00 : f32
      %max3A_590 = vector.broadcast %max3A_589 : f32 to vector<16xf32>
      %max3A_591 = arith.maximumf %div3A_588, %max3A_590 : vector<16xf32>
      %max3A_592 = arith.constant 1.000000e-30 : f32
      %max3A_593 = vector.broadcast %max3A_592 : f32 to vector<16xf32>
      %max3A_594 = arith.maximumf %max3A_591, %max3A_593 : vector<16xf32>
      %bitcast_convert_type3A_595 = tpu.bitcast %max3A_594 : vector<16xf32> -> vector<16xi32>
      %shift_right_logical3A_596 = arith.constant 1 : i32
      %shift_right_logical3A_597 = vector.broadcast %shift_right_logical3A_596 : i32 to vector<16xi32>
      %shift_right_logical3A_598 = arith.shrui %bitcast_convert_type3A_595, %shift_right_logical3A_597 : vector<16xi32>
      %sub3A_599 = arith.constant 1597463007 : i32
      %sub3A_600 = vector.broadcast %sub3A_599 : i32 to vector<16xi32>
      %sub3A_601 = arith.subi %sub3A_600, %shift_right_logical3A_598 : vector<16xi32>
      %bitcast_convert_type3A_602 = tpu.bitcast %sub3A_601 : vector<16xi32> -> vector<16xf32>
      %mul3A_603 = arith.constant 5.000000e-01 : f32
      %mul3A_604 = vector.broadcast %mul3A_603 : f32 to vector<16xf32>
      %mul3A_605 = arith.mulf %mul3A_604, %max3A_594 : vector<16xf32>
      %mul3A_606 = arith.mulf %mul3A_605, %bitcast_convert_type3A_602 : vector<16xf32>
      %mul3A_607 = arith.mulf %mul3A_606, %bitcast_convert_type3A_602 : vector<16xf32>
      %sub3A_608 = arith.constant 1.500000e+00 : f32
      %sub3A_609 = vector.broadcast %sub3A_608 : f32 to vector<16xf32>
      %sub3A_610 = arith.subf %sub3A_609, %mul3A_607 : vector<16xf32>
      %mul3A_611 = arith.mulf %bitcast_convert_type3A_602, %sub3A_610 : vector<16xf32>
      %mul3A_612 = arith.constant 5.000000e-01 : f32
      %mul3A_613 = vector.broadcast %mul3A_612 : f32 to vector<16xf32>
      %mul3A_614 = arith.mulf %mul3A_613, %max3A_594 : vector<16xf32>
      %mul3A_615 = arith.mulf %mul3A_614, %mul3A_611 : vector<16xf32>
      %mul3A_616 = arith.mulf %mul3A_615, %mul3A_611 : vector<16xf32>
      %sub3A_617 = arith.constant 1.500000e+00 : f32
      %sub3A_618 = vector.broadcast %sub3A_617 : f32 to vector<16xf32>
      %sub3A_619 = arith.subf %sub3A_618, %mul3A_616 : vector<16xf32>
      %mul3A_620 = arith.mulf %mul3A_611, %sub3A_619 : vector<16xf32>
      %mul3A_621 = arith.constant 5.000000e-01 : f32
      %mul3A_622 = vector.broadcast %mul3A_621 : f32 to vector<16xf32>
      %mul3A_623 = arith.mulf %mul3A_622, %max3A_594 : vector<16xf32>
      %mul3A_624 = arith.mulf %mul3A_623, %mul3A_620 : vector<16xf32>
      %mul3A_625 = arith.mulf %mul3A_624, %mul3A_620 : vector<16xf32>
      %sub3A_626 = arith.constant 1.500000e+00 : f32
      %sub3A_627 = vector.broadcast %sub3A_626 : f32 to vector<16xf32>
      %sub3A_628 = arith.subf %sub3A_627, %mul3A_625 : vector<16xf32>
      %mul3A_629 = arith.mulf %mul3A_620, %sub3A_628 : vector<16xf32>
      %mul3A_630 = arith.mulf %max3A_591, %mul3A_629 : vector<16xf32>
      %sub3A_631 = arith.subf %get3A_574, %div3A_578 : vector<16xf32>
      %gt3A_632 = arith.constant 2.000000e+00 : f32
      %gt3A_633 = vector.broadcast %gt3A_632 : f32 to vector<16xf32>
      %gt3A_634 = arith.cmpf ogt, %get3A_559, %gt3A_633 : vector<16xf32>
      %add3A_635 = arith.constant 1.000000e-03 : f32
      %add3A_636 = vector.broadcast %add3A_635 : f32 to vector<16xf32>
      %add3A_637 = arith.addf %mul3A_630, %add3A_636 : vector<16xf32>
      %div3A_638 = arith.divf %sub3A_631, %add3A_637 : vector<16xf32>
      %div3A_639 = arith.constant 2.000000e+01 : f32
      %div3A_640 = vector.broadcast %div3A_639 : f32 to vector<16xf32>
      %div3A_641 = arith.divf %sub3A_631, %div3A_640 : vector<16xf32>
      %select_n3A_642 = arith.select %gt3A_634, %div3A_638, %div3A_641 : vector<16xi1>, vector<16xf32>
      %swap3A_643 = arith.constant 13 : i32
      %swap3A_644 = arith.index_cast %swap3A_643 : i32 to index
      %swap3A_645 = arith.index_cast %mul3A_469 : i32 to index
      %swap3A_646 = tpu.vector_load %arg6[%swap3A_644, %swap3A_645] {strides = array<i32>} : memref<14x128xf32, #tpu.memory_space<vmem>>, vector<1x16xf32>,
      %swap3A_647 = vector.shape_cast %swap3A_646 : vector<1x16xf32> to vector<16xf32>
      %swap3A_648 = vector.shape_cast %select_n3A_642 : vector<16xf32> to vector<1x16xf32>
      tpu.vector_store %arg6[%swap3A_644, %swap3A_645], %swap3A_648 {strides = array<i32>} : memref<14x128xf32, #tpu.memory_space<vmem>>, vector<1x16xf32>,
      %scan3A_649 = arith.constant 0 : i32
      scf.yield %scan3A_649 : i32
    }
    %scan3A_456 = arith.constant 8 : i32
    %mul3A_457 = arith.constant 256 : i32
    %mul3A_458 = arith.muli %arg1, %mul3A_457 : i32
    %add3A_459 = arith.constant 0 : i32
    %add3A_460 = arith.addi %mul3A_458, %add3A_459 : i32
    %run_scoped3A = arith.constant 12 : i32
    "tpu.region"() ({
      %run_scoped3A_466 = tpu.sem_alloc : memref<!tpu.dma_semaphore, #tpu.memory_space<semaphore_mem>>
      %dma_start3A_467 = arith.constant 0 : i32
      %dma_start3A_468 = tpu.memref_slice %arg6[%run_scoped3A, %dma_start3A_467] : memref<14x128xf32, #tpu.memory_space<vmem>> -> memref<1x128xf32, #tpu.memory_space<vmem>>
      %dma_start3A_469 = tpu.memref_squeeze %dma_start3A_468 : memref<1x128xf32, #tpu.memory_space<vmem>> -> memref<128xf32, #tpu.memory_space<vmem>>
      %dma_start3A_470 = tpu.memref_slice %arg4[%add3A_460] : memref<4096xf32, #tpu.memory_space<hbm>> -> memref<128xf32, #tpu.memory_space<hbm>>
      %dma_start3A_471 = tpu.memref_slice %arg4[%add3A_460] : memref<4096xf32, #tpu.memory_space<hbm>> -> memref<128xf32, #tpu.memory_space<hbm>>
      %dma_start3A_472 = arith.constant 0 : i32
      %dma_start3A_473 = tpu.memref_slice %arg6[%run_scoped3A, %dma_start3A_472] : memref<14x128xf32, #tpu.memory_space<vmem>> -> memref<1x128xf32, #tpu.memory_space<vmem>>
      %dma_start3A_474 = tpu.memref_squeeze %dma_start3A_473 : memref<1x128xf32, #tpu.memory_space<vmem>> -> memref<128xf32, #tpu.memory_space<vmem>>
      tpu.enqueue_dma source(%dma_start3A_474 : memref<128xf32, #tpu.memory_space<vmem>>) target(%dma_start3A_471 : memref<128xf32, #tpu.memory_space<hbm>>) target_semaphore(%run_scoped3A_466 : memref<!tpu.dma_semaphore, #tpu.memory_space<semaphore_mem>>)
      %dma_wait3A_475 = arith.constant 0 : i32
      %dma_wait3A_476 = tpu.memref_slice %arg6[%run_scoped3A, %dma_wait3A_475] : memref<14x128xf32, #tpu.memory_space<vmem>> -> memref<1x128xf32, #tpu.memory_space<vmem>>
      %dma_wait3A_477 = tpu.memref_squeeze %dma_wait3A_476 : memref<1x128xf32, #tpu.memory_space<vmem>> -> memref<128xf32, #tpu.memory_space<vmem>>
      %dma_wait3A_478 = tpu.memref_slice %arg4[%add3A_460] : memref<4096xf32, #tpu.memory_space<hbm>> -> memref<128xf32, #tpu.memory_space<hbm>>
      %dma_wait3A_479 = tpu.memref_slice %arg4[%add3A_460] : memref<4096xf32, #tpu.memory_space<hbm>> -> memref<128xf32, #tpu.memory_space<hbm>>
      %dma_wait3A_480 = arith.constant 0 : i32
      %dma_wait3A_481 = tpu.memref_slice %arg6[%run_scoped3A, %dma_wait3A_480] : memref<14x128xf32, #tpu.memory_space<vmem>> -> memref<1x128xf32, #tpu.memory_space<vmem>>
      %dma_wait3A_482 = tpu.memref_squeeze %dma_wait3A_481 : memref<1x128xf32, #tpu.memory_space<vmem>> -> memref<128xf32, #tpu.memory_space<vmem>>
      tpu.wait_dma2 semaphore(%run_scoped3A_466 : memref<!tpu.dma_semaphore, #tpu.memory_space<semaphore_mem>>) src(%dma_wait3A_482 : memref<128xf32, #tpu.memory_space<vmem>>) dst(%dma_wait3A_479 : memref<128xf32, #tpu.memory_space<hbm>>)
      tpu.yield
    }) : () -> ()
    %mul3A_461 = arith.constant 256 : i32
    %mul3A_462 = arith.muli %arg1, %mul3A_461 : i32
    %add3A_463 = arith.constant 128 : i32
    %add3A_464 = arith.addi %mul3A_462, %add3A_463 : i32
    %run_scoped3A_465 = arith.constant 13 : i32
    "tpu.region"() ({
      %run_scoped3A_466 = tpu.sem_alloc : memref<!tpu.dma_semaphore, #tpu.memory_space<semaphore_mem>>
      %dma_start3A_467 = arith.constant 0 : i32
      %dma_start3A_468 = tpu.memref_slice %arg6[%run_scoped3A_465, %dma_start3A_467] : memref<14x128xf32, #tpu.memory_space<vmem>> -> memref<1x128xf32, #tpu.memory_space<vmem>>
      %dma_start3A_469 = tpu.memref_squeeze %dma_start3A_468 : memref<1x128xf32, #tpu.memory_space<vmem>> -> memref<128xf32, #tpu.memory_space<vmem>>
      %dma_start3A_470 = tpu.memref_slice %arg4[%add3A_464] : memref<4096xf32, #tpu.memory_space<hbm>> -> memref<128xf32, #tpu.memory_space<hbm>>
      %dma_start3A_471 = tpu.memref_slice %arg4[%add3A_464] : memref<4096xf32, #tpu.memory_space<hbm>> -> memref<128xf32, #tpu.memory_space<hbm>>
      %dma_start3A_472 = arith.constant 0 : i32
      %dma_start3A_473 = tpu.memref_slice %arg6[%run_scoped3A_465, %dma_start3A_472] : memref<14x128xf32, #tpu.memory_space<vmem>> -> memref<1x128xf32, #tpu.memory_space<vmem>>
      %dma_start3A_474 = tpu.memref_squeeze %dma_start3A_473 : memref<1x128xf32, #tpu.memory_space<vmem>> -> memref<128xf32, #tpu.memory_space<vmem>>
      tpu.enqueue_dma source(%dma_start3A_474 : memref<128xf32, #tpu.memory_space<vmem>>) target(%dma_start3A_471 : memref<128xf32, #tpu.memory_space<hbm>>) target_semaphore(%run_scoped3A_466 : memref<!tpu.dma_semaphore, #tpu.memory_space<semaphore_mem>>)
      %dma_wait3A_475 = arith.constant 0 : i32
      %dma_wait3A_476 = tpu.memref_slice %arg6[%run_scoped3A_465, %dma_wait3A_475] : memref<14x128xf32, #tpu.memory_space<vmem>> -> memref<1x128xf32, #tpu.memory_space<vmem>>
      %dma_wait3A_477 = tpu.memref_squeeze %dma_wait3A_476 : memref<1x128xf32, #tpu.memory_space<vmem>> -> memref<128xf32, #tpu.memory_space<vmem>>
      %dma_wait3A_478 = tpu.memref_slice %arg4[%add3A_464] : memref<4096xf32, #tpu.memory_space<hbm>> -> memref<128xf32, #tpu.memory_space<hbm>>
      %dma_wait3A_479 = tpu.memref_slice %arg4[%add3A_464] : memref<4096xf32, #tpu.memory_space<hbm>> -> memref<128xf32, #tpu.memory_space<hbm>>
      %dma_wait3A_480 = arith.constant 0 : i32
      %dma_wait3A_481 = tpu.memref_slice %arg6[%run_scoped3A_465, %dma_wait3A_480] : memref<14x128xf32, #tpu.memory_space<vmem>> -> memref<1x128xf32, #tpu.memory_space<vmem>>
      %dma_wait3A_482 = tpu.memref_squeeze %dma_wait3A_481 : memref<1x128xf32, #tpu.memory_space<vmem>> -> memref<128xf32, #tpu.memory_space<vmem>>
      tpu.wait_dma2 semaphore(%run_scoped3A_466 : memref<!tpu.dma_semaphore, #tpu.memory_space<semaphore_mem>>) src(%dma_wait3A_482 : memref<128xf32, #tpu.memory_space<vmem>>) dst(%dma_wait3A_479 : memref<128xf32, #tpu.memory_space<hbm>>)
      tpu.yield
    }) : () -> ()
    return
  }
}

</mosaic_0001>

<sc_bundles>
// kernel: _lamaface_sc.3.cloned.1.call-start
scs
__scs_entry_jumppad:
0x0: {  	(pc) =	sbr.rel $0x88, $3  }
0x1: {  	(tag) =	ssettag $0x0;
	lr =	simm.s32 $0x1  }
0x2: {  	[smem:$0x3F9F] =	sst lr;
	_ =	strace $0xD0000000  }
0x3: {  	_ = 	snop  }
0x4: {  	_ = 	snop  }
0x5: {  	_ = 	snop  }
0x6: {  	_ = 	snop  }
0x7: {  	_ = 	snop  }
__scs_overlays_trampoline_lowered:
0x8: {  	[smem:$0x3FAE] =	sst s0  }
0x9: {  	[smem:$0x3FAF] =	sst s1  }
0xa: {  	[smem:$0x3FB0] =	sst s2  }
0xb: {  	[smem:$0x3FB1] =	sst s3  }
0xc: {  	[smem:$0x3FB2] =	sst s4  }
0xd: {  	[smem:$0x3FB3] =	sst s5  }
0xe: {  	[smem:$0x3FB4] =	sst s6  }
0xf: {  	[smem:$0x3FB5] =	sst s7  }
0x10: {  	[smem:$0x3FB6] =	sst s8  }
0x11: {  	[smem:$0x3FB7] =	sst s9;
	s0 =	simm.s32 @!p0 $0x0  }
0x12: {  	s1 =	sld [smem:$0x3F9D];
	s0 =	simm.s32 @p0 $0x1  }
0x13: {  	[smem:$0x3FB8] =	sst s0;
	s0 =	simm.s32 @!p1 $0x0  }
0x14: {  	s2 =	sld [smem:$0x3F9C];
	s0 =	simm.s32 @p1 $0x1  }
0x15: {  	[smem:$0x3FB9] =	sst s0;
	s0 =	simm.s32 @!p2 $0x0  }
0x16: {  	s3 =	sld [smem:$0x3FDB];
	s0 =	simm.s32 @p2 $0x1  }
0x17: {  	s4 =	simm.s32 $0x1BF5;
	[smem:$0x3FBB] =	sst s0  }
0x18: {  	s0 =	sld [smem:$0x3F9E];
	_ =	swait.ge [sflag:s4], $0x0  }
0x19: {  	s7 =	sld [smem:$0x3F9F]  }
0x1a: {  	s8 =	sadd.s32 $0xFFFFE003, lr  }
0x1b: {  	s9 =	sadd.s32 $0xFFFFFEF7, lr;
	s5 =	simm.s32 $0xFFFFFFFF;
	p2 =	slt.u32 s8, $0xFFFFF086  }
0x1c: {  	p1 =	slt.u32 s9, $0xF7A;
	s5 =	simm.s32 @!p2 $0x0  }
0x1d: {  	s5 =	simm.s32 @p1 $0x1;
	p0 =	seq.s32 s7, s2  }
0x1e: {  	s7 =	smul.u32 @!p0 $0xF7A, s2;
	p2 =	seq.s32 @!p0 s5, $0x0  }
0x1f: {  	s9 =	smul.u32 $0xF7A, s1;
	s8 =	simm.s32 @!p0 $0x1BF5;
	p2 =	por !p2, p0  }
0x20: {  	[sflag:s8] =	ssyncset.s32 @!p0 $0xFFFFF086;
	s6 =	sadd.s32 @!p0 s3, s7;
	s7 =	simm.s32 @!p0 $0x108  }
0x21: {  	s3 =	sadd.s32 s3, s9;
	s6 =	sadd.s32 @!p0 $0x88, s6;
	s7 =	simm.s32 @p2 $0x1082  }
0x22: {  	[simem:s7], [sflag:s8] =	dma.local @!p0 [hbm:s6], $0xF7A  }
0x23: {  	s9 =	sor.u32 $0xD0000000, s2;
	s6 =	simm.s32 $0x108;
	_ =	swait.ge @!p0 [sflag:s8], $0x0  }
0x24: {  	s3 =	sadd.s32 $0x88, s3;
	s6 =	simm.s32 @!p1 $0x1082;
	[sflag:s4] =	ssyncset.s32 $0xFFFFF086  }
0x25: {  	[simem:s6], [sflag:s4] =	dma.local [hbm:s3], $0xF7A  }
0x26: {  	[smem:$0x3F9F] =	sst s1;
	(tag) =	ssettag s2;
	_ =	strace s9  }
0x27: {  	s1 =	sld [smem:$0x3FAF]  }
0x28: {  	s2 =	sld [smem:$0x3FB0]  }
0x29: {  	s4 =	sld [smem:$0x3FB2]  }
0x2a: {  	p0 =	seq.s32 s5, $0x0;
	s5 =	sld [smem:$0x3FB3]  }
0x2b: {  	s6 =	sld [smem:$0x3FB4]  }
0x2c: {  	s7 =	sld [smem:$0x3FB5]  }
0x2d: {  	s3 =	simm.s32 $0x108;
	s8 =	sld [smem:$0x3FB6]  }
0x2e: {  	s3 =	simm.s32 @!p0 $0x1082;
	s9 =	sld [smem:$0x3FB7]  }
0x2f: {  	lr =	sadd.s32 s0, s3;
	s0 =	sld [smem:$0x3FAE]  }
0x30: {  	s3 =	sld [smem:$0x3FB1]  }
0x31: {  	[smem:$0x3FBA] =	sst s10  }
0x32: {  	s10 =	sld [smem:$0x3FB8];
	_ =	sdelay $0x3  }
0x33: {  	p0 =	seq.s32 s10, $0x1;
	s10 =	sld [smem:$0x3FBA];
	_ =	sdelay $0x3  }
0x34: {  	[smem:$0x3FBA] =	sst s10  }
0x35: {  	s10 =	sld [smem:$0x3FB9];
	_ =	sdelay $0x3  }
0x36: {  	p1 =	seq.s32 s10, $0x1;
	s10 =	sld [smem:$0x3FBA];
	_ =	sdelay $0x3  }
0x37: {  	[smem:$0x3FBA] =	sst s10  }
0x38: {  	s10 =	sld [smem:$0x3FBB]  }
0x39: {  	_ = 	snop;
	(pc) =	sbr.ind lr, $3  }
0x3a: {  	_ = 	snop  }
0x3b: {  	_ = 	snop  }
0x3c: {  	p2 =	seq.s32 s10, $0x1;
	s10 =	sld [smem:$0x3FBA]  }
0x3d: {  	_ =	shalt  }
0x3e: {  	_ =	shalt  }
0x3f: {  	_ =	shalt  }
0x40: {  	_ =	shalt  }
0x41: {  	_ =	shalt  }
0x42: {  	_ =	shalt  }
0x43: {  	_ =	shalt  }
0x44: {  	_ =	shalt  }
0x45: {  	_ =	shalt  }
0x46: {  	_ =	shalt  }
0x47: {  	_ =	shalt  }
0x48: {  	_ =	shalt  }
0x49: {  	_ =	shalt  }
0x4a: {  	_ =	shalt  }
0x4b: {  	_ =	shalt  }
0x4c: {  	_ =	shalt  }
0x4d: {  	_ =	shalt  }
0x4e: {  	_ =	shalt  }
0x4f: {  	_ =	shalt  }
0x50: {  	_ =	shalt  }
0x51: {  	_ =	shalt  }
0x52: {  	_ =	shalt  }
0x53: {  	_ =	shalt  }
0x54: {  	_ =	shalt  }
0x55: {  	_ =	shalt  }
0x56: {  	_ =	shalt  }
0x57: {  	_ =	shalt  }
0x58: {  	_ =	shalt  }
0x59: {  	_ =	shalt  }
0x5a: {  	_ =	shalt  }
0x5b: {  	_ =	shalt  }
0x5c: {  	_ =	shalt  }
0x5d: {  	_ =	shalt  }
0x5e: {  	_ =	shalt  }
0x5f: {  	_ =	shalt  }
0x60: {  	_ =	shalt  }
0x61: {  	_ =	shalt  }
0x62: {  	_ =	shalt  }
0x63: {  	_ =	shalt  }
0x64: {  	_ =	shalt  }
0x65: {  	_ =	shalt  }
0x66: {  	_ =	shalt  }
0x67: {  	_ =	shalt  }
0x68: {  	_ =	shalt  }
0x69: {  	_ =	shalt  }
0x6a: {  	_ =	shalt  }
0x6b: {  	_ =	shalt  }
0x6c: {  	_ =	shalt  }
0x6d: {  	_ =	shalt  }
0x6e: {  	_ =	shalt  }
0x6f: {  	_ =	shalt  }
0x70: {  	_ =	shalt  }
0x71: {  	_ =	shalt  }
0x72: {  	_ =	shalt  }
0x73: {  	_ =	shalt  }
0x74: {  	_ =	shalt  }
0x75: {  	_ =	shalt  }
0x76: {  	_ =	shalt  }
0x77: {  	_ =	shalt  }
0x78: {  	_ =	shalt  }
0x79: {  	_ =	shalt  }
0x7a: {  	_ =	shalt  }
0x7b: {  	_ =	shalt  }
0x7c: {  	_ =	shalt  }
0x7d: {  	_ =	shalt  }
0x7e: {  	_ =	shalt  }
0x7f: {  	_ =	shalt  }
0x80: {  	_ =	shalt  }
0x81: {  	_ =	shalt  }
0x82: {  	_ =	shalt  }
0x83: {  	_ =	shalt  }
0x84: {  	_ =	shalt  }
0x85: {  	_ =	shalt  }
0x86: {  	_ =	shalt  }
0x87: {  	_ =	shalt  }
.Lfunc_end0:
.L_simem_size_0:
called_computation_lowered:
.L_overlay_start_0:
0x88: {  	s0 =	sld [smem:$0x3FD9]  }
0x89: {  	s1 =	sld [smem:$0x3FFE];
	_ =	sdelay $0x3  }
0x8a: {  	s0 =	sadd.s32 s1, s0  }
0x8b: {  	[smem:$0x3FC6] =	sst s0  }
0x8c: {  	_ = 	snop  }
0x8d: {  	s0 =	sld [smem:$0x3FC9]  }
0x8e: {  	s17 =	sld [smem:$0x3FC8]  }
0x8f: {  	s2 =	sld [smem:$0x3FD0];
	(tm) =	ssettm $0x1  }
0x90: {  	s3 =	sld [smem:$0x3FFB];
	_ =	sdelay $0x3  }
0x91: {  	_ =	strace s3  }
0x92: {  	s3 =	sld [smem:$0x3FFC];
	_ =	sdelay $0x3  }
0x93: {  	_ =	strace s3  }
0x94: {  	s3 =	sld [smem:$0x3FFD];
	_ =	sdelay $0x3  }
0x95: {  	_ =	strace s3  }
0x96: {  	_ =	strace $0x8FFFFFFF  }
0x97: {  	s18 =	sld [smem:$0x3FDB];
	_ =	sdelay $0x1  }
0x98: {  	s4 =	simm.s32 $_scs_section_size  }
0x99: {  	s5 =	simm.s32 $_size__tile_overlayer_lowered;
	s6 =	simm.s32 $_tile_overlayer_lowered  }
0x9a: {  	s21 =	simm.s32 $0x1BFF;
	s20 =	sshll.u32 s6, $0x1;
	s3 =	sadd.s32 s4, s18  }
0x9b: {  	s7 =	simm.s32 $0x0;
	s19 =	sshll.u32 s5, $0x1;
	s5 =	sadd.s32 s20, s3  }
0x9c: {  	[timem:s7], [sflag:s21] =	dma.local [hbm:s5], s19  }
0x9d: {  	_ =	swait.ge [sflag:s21], s19  }
0x9e: {  	s4 =	ssub.s32 $0x0, s19;
	[sflag:s21] =	ssyncset.done $0x0  }
0x9f: {  	[sflag:s21] =	ssyncadd.s32 s4;
	_ =	sdelay $0x1  }
0xa0: {  	s22 =	simm.s32 $0x1B8B  }
0xa1: {  	_ =	swait.ge [sflag:s22], $0x1  }
0xa2: {  	[sflag:s22] =	ssyncset.done $0x0  }
0xa3: {  	s23 =	simm.s32 $0x1B8E;
	[sflag:s22] =	ssyncadd.s32 $0xFFFFFFFF  }
0xa4: {  	s24 =	simm.s32 $execute0_lowered;
	[smem:$0x3FD2] =	sst s23  }
0xa5: {  	s4 =	sshll.u32 s24, $0x1;
	_ =	strace $0x80000046;
	[dreg:$0x1] =	wrdreg $0xFFFFFFFF  }
0xa6: {  	s25 =	simm.s32 $_size_execute0_lowered;
	s3 =	sadd.s32 s3, s4;
	[dreg:$0x0] =	wrdreg $0x0  }
0xa7: {  	s4 =	sshll.u32 s25, $0x1;
	[dreg:$0x2] =	wrdreg s3  }
0xa8: {  	[dreg:$0x3] =	wrdreg s4  }
0xa9: {  	[dreg:$0x4] =	wrdreg $0xC0  }
0xaa: {  	_ =	task [dreg:s7], $0x5FFFF  }
0xab: {  	[dreg:$0x1] =	wrdreg $0xFFFFFFFF  }
0xac: {  	[dreg:$0x0] =	wrdreg $0x60  }
0xad: {  	[dreg:$0x2] =	wrdreg s0  }
0xae: {  	[dreg:$0x3] =	wrdreg s17  }
0xaf: {  	[dreg:$0x4] =	wrdreg s2  }
0xb0: {  	[dreg:$0x5] =	wrdreg $0x9000  }
0xb1: {  	[dreg:$0x6] =	wrdreg $0x1A480  }
0xb2: {  	[dreg:$0x7] =	wrdreg $0x2B900  }
0xb3: {  	[dreg:$0x8] =	wrdreg $0x9  }
0xb4: {  	_ =	task.clear_ibuf [dreg:s7], $0x9FFFF;
	_ =	strace $0x90000046  }
0xb5: {  	s26 =	simm.s32 $0x9;
	_ =	strace $0x80000048  }
0xb6: {  	_ =	swait.ge [sflag:s26], $0x1  }
0xb7: {  	[sflag:s26] =	ssyncadd.s32 $0xFFFFFFFF  }
0xb8: {  	_ =	strace $0x90000048  }
0xb9: {  	_ =	sfence  }
0xba: {  	s28 =	sld [smem:$0x0];
	_ =	sdelay $0x1  }
0xbb: {  	s29 =	srdreg.scid  }
0xbc: {  	s30 =	sshll.u32 s29, $0xD;
	s31 =	sshrl.u32 s29, $0x2  }
0xbd: {  	s1 =	sand.u32 $0x1, s29;
	s2 =	sand.u32 $0x4000, s30;
	s0 =	sadd.s32 s31, s28  }
0xbe: {  	s1 =	sor.u32 s2, s1;
	s0 =	sshll.u32 s0, $0x11  }
0xbf: {  	s0 =	sor.u32 s0, s1  }
0xc0: {  	s0 =	sadd.s32 $0x8F2B, s0  }
0xc1: {  	[sflag:s0] =	ssyncadd.remote.s32 $0x1  }
0xc2: {  	_ =	sfence.sel $0xFFFF  }
0xc3: {  	[dreg:$0x0] =	wrdreg $0xFFFFFFFF;
	(pc) =	sbr.abs _section_cstart, $3  }
0xc4: {  	[dreg:$0x1] =	wrdreg $0xFFFFFFFF  }
0xc5: {  	_ =	task.clear_ibuf [dreg:s7], $0x2FFFF;
	_ =	strace $0x9FFFFFFF  }
0xc6: {  	(tm) =	ssettm $0x7FFFFFFF  }
0xc7: {  	_ =	shalt  }
tec
execute0_lowered:
.L_overlay_start_1:
0x0: {  	(tag) =	ssettag $0x1  }
0x1: {  	s9 =	rddreg [dreg:$0x0]  }
0x2: {  	s10 =	rddreg [dreg:$0x1]  }
0x3: {  	s2 =	rddreg [dreg:$0x2]  }
0x4: {  	s7 =	rddreg [dreg:$0x3]  }
0x5: {  	s6 =	rddreg [dreg:$0x4]  }
0x6: {  	s5 =	rddreg [dreg:$0x5];
	s8 =	simm.s32 $0x0;
	s1 =	stileid.u32  }
0x7: {  	[smem:$0x7FF] =	sst s8;
	s4 =	sshll.u32 s1, $0x5  }
0x8: {  	s0 =	rddreg [dreg:$0x6];
	_ =	strace $0x80000047;
	s3 =	sadd.s32 s9, s4  }
0x9: {  	[tilespmem:s8], [sflag:$0x1] =	stream.linear.gather [hbm4b:s3+s8], $0x80, $0x38;
	[tilespmem:$0x3CD8] =	vst v63  }
0xa: {  	s11 =	simm.s32 $0x100;
	s12 =	sadd.s32 s10, s4;
	s3 =	sor.u32 $0x10, s4  }
0xb: {  	[tilespmem:s11], [sflag:$0x2] =	stream.linear.gather [hbm4b:s12+s8], $0x80, $0x38;
	[tilespmem:$0x3CD8] =	vst v63  }
0xc: {  	s18 =	simm.s32 $0x80;
	s17 =	sadd.s32 s9, s3  }
0xd: {  	[tilespmem:s18], [sflag:$0x1] =	stream.linear.gather [hbm4b:s17+s8], $0x80, $0x38;
	[tilespmem:$0x3CD8] =	vst v63  }
0xe: {  	s19 =	simm.s32 $0x180;
	s10 =	sadd.s32 s10, s3  }
0xf: {  	v0 =	vimm.f32 $1.000000000e+00;
	[tilespmem:s19], [sflag:$0x2] =	stream.linear.gather [hbm4b:s10+s8], $0x80, $0x38;
	[tilespmem:$0x3CD8] =	vst v63  }
0x10: {  	v1 =	vimm.f32 $0.0e+00;
	[tilespmem:$0x300] =	vst v0  }
0x11: {  	[tilespmem:$0x380] =	vst v1  }
0x12: {  	[tilespmem:$0x310] =	vst v0  }
0x13: {  	[tilespmem:$0x390] =	vst v1  }
0x14: {  	[tilespmem:$0x320] =	vst v0  }
0x15: {  	[tilespmem:$0x3A0] =	vst v1  }
0x16: {  	[tilespmem:$0x330] =	vst v0  }
0x17: {  	[tilespmem:$0x3B0] =	vst v1  }
0x18: {  	[tilespmem:$0x340] =	vst v0  }
0x19: {  	[tilespmem:$0x3C0] =	vst v1  }
0x1a: {  	[tilespmem:$0x350] =	vst v0  }
0x1b: {  	[tilespmem:$0x3D0] =	vst v1  }
0x1c: {  	[tilespmem:$0x360] =	vst v0  }
0x1d: {  	[tilespmem:$0x3E0] =	vst v1  }
0x1e: {  	[tilespmem:$0x370] =	vst v0  }
0x1f: {  	s13 =	simm.s32 $0x1;
	[tilespmem:$0x3F0] =	vst v1  }
0x20: {  	_ =	swait.ge [sflag:s13], $0x80  }
0x21: {  	[sflag:s13] =	ssyncset.done $0x0  }
0x22: {  	[sflag:s13] =	ssyncadd.s32 $0xFFFFFF80  }
0x23: {  	_ =	swait.ge [sflag:s13], $0x80  }
0x24: {  	[sflag:s13] =	ssyncset.done $0x0  }
0x25: {  	s20 =	simm.s32 $0x380;
	[sflag:s13] =	ssyncadd.s32 $0xFFFFFF80  }
0x26: {  	[spmem:s7] =	stream.indirect.scatter [tilespmem:s20], [sflag:$0x3], $0x1, s8, s18, $0xb8;
	[tilespmem:$0x3CD8] =	vst v63  }
0x27: {  	_ = 	snop  }
0x28: {  	[spmem:s6] =	stream.indirect.scatter [tilespmem:s20], [sflag:$0x3], $0x1, s8, s18, $0xb8;
	[tilespmem:$0x3CD8] =	vst v63  }
0x29: {  	_ = 	snop  }
0x2a: {  	[spmem:s5] =	stream.indirect.scatter [tilespmem:s20], [sflag:$0x3], $0x1, s8, s18, $0xb8;
	[tilespmem:$0x3CD8] =	vst v63  }
0x2b: {  	_ = 	snop  }
0x2c: {  	[spmem:s7] =	stream.indirect.scatter [tilespmem:s20], [sflag:$0x3], $0x1, s18, s18, $0xb8;
	[tilespmem:$0x3CD8] =	vst v63  }
0x2d: {  	_ = 	snop  }
0x2e: {  	[spmem:s6] =	stream.indirect.scatter [tilespmem:s20], [sflag:$0x3], $0x1, s18, s18, $0xb8;
	[tilespmem:$0x3CD8] =	vst v63  }
0x2f: {  	s21 =	simm.s32 $0x2  }
0x30: {  	[spmem:s5] =	stream.indirect.scatter [tilespmem:s20], [sflag:$0x3], $0x1, s18, s18, $0xb8;
	[tilespmem:$0x3CD8] =	vst v63  }
0x31: {  	_ =	swait.ge [sflag:s21], $0x80  }
0x32: {  	[sflag:s21] =	ssyncset.done $0x0  }
0x33: {  	[sflag:s21] =	ssyncadd.s32 $0xFFFFFF80  }
0x34: {  	_ =	swait.ge [sflag:s21], $0x80  }
0x35: {  	[sflag:s21] =	ssyncset.done $0x0  }
0x36: {  	[sflag:s21] =	ssyncadd.s32 $0xFFFFFF80  }
0x37: {  	v0 =	vld [tilespmem:$0x100]  }
0x38: {  	v1 =	vld [tilespmem:$0x180]  }
0x39: {  	v2 =	vld [tilespmem:$0x110]  }
0x3a: {  	v3 =	vld [tilespmem:$0x190]  }
0x3b: {  	v4 =	vld [tilespmem:$0x120]  }
0x3c: {  	v5 =	vld [tilespmem:$0x1A0];
	v0 =	vmul.f32 v0, v0  }
0x3d: {  	v6 =	vld [tilespmem:$0x130];
	v1 =	vmul.f32 v1, v1  }
0x3e: {  	[tilespmem:$0x200] =	vst v0;
	v0 =	vmul.f32 v2, v2;
	v2 =	vld [tilespmem:$0x1B0]  }
0x3f: {  	[tilespmem:$0x280] =	vst v1;
	v1 =	vmul.f32 v3, v3;
	v3 =	vld [tilespmem:$0x140]  }
0x40: {  	[tilespmem:$0x210] =	vst v0;
	v0 =	vmul.f32 v4, v4;
	v4 =	vld [tilespmem:$0x1C0]  }
0x41: {  	[tilespmem:$0x290] =	vst v1;
	v1 =	vmul.f32 v5, v5;
	v5 =	vld [tilespmem:$0x150]  }
0x42: {  	[tilespmem:$0x220] =	vst v0;
	v0 =	vmul.f32 v6, v6;
	v6 =	vld [tilespmem:$0x1D0]  }
0x43: {  	[tilespmem:$0x2A0] =	vst v1;
	v1 =	vmul.f32 v2, v2;
	v2 =	vld [tilespmem:$0x160]  }
0x44: {  	v7 =	vimm.f32 $2.000000000e+01;
	[tilespmem:$0x230] =	vst v0;
	v0 =	vmul.f32 v3, v3;
	v3 =	vld [tilespmem:$0x1E0]  }
0x45: {  	(erf) = vrcp.f32 v7;
	[tilespmem:$0x2B0] =	vst v1;
	v1 =	vmul.f32 v4, v4;
	v4 =	vld [tilespmem:$0x170]  }
0x46: {  	[tilespmem:$0x240] =	vst v0;
	v0 =	vmul.f32 v5, v5  }
0x47: {  	v5 =	vld [tilespmem:$0x1F0];
	[tilespmem:$0x2C0] =	vst v1;
	v1 =	vmul.f32 v6, v6  }
0x48: {  	[tilespmem:$0x250] =	vst v0;
	v0 =	vmul.f32 v2, v2  }
0x49: {  	[tilespmem:$0x2D0] =	vst v1  }
0x4a: {  	v1 =	vmul.f32 v3, v3;
	[tilespmem:$0x260] =	vst v0;
	v0 =	vmul.f32 v4, v4;
	_ =	sdelay $0x1  }
0x4b: {  	[tilespmem:$0x2E0] =	vst v1;
	v1 =	vmul.f32 v5, v5  }
0x4c: {  	[tilespmem:$0x270] =	vst v0  }
0x4d: {  	s14 =	simm.s32 $0x3;
	[tilespmem:$0x2F0] =	vst v1;
	v0 =	vpop (erf)  }
0x4e: {  	_ =	swait.ge [sflag:s14], $0x80  }
0x4f: {  	[sflag:s14] =	ssyncset.done $0x0  }
0x50: {  	[sflag:s14] =	ssyncadd.s32 $0xFFFFFF80  }
0x51: {  	_ =	swait.ge [sflag:s14], $0x80  }
0x52: {  	[sflag:s14] =	ssyncset.done $0x0  }
0x53: {  	[sflag:s14] =	ssyncadd.s32 $0xFFFFFF80  }
0x54: {  	_ =	swait.ge [sflag:s14], $0x80  }
0x55: {  	[sflag:s14] =	ssyncset.done $0x0  }
0x56: {  	[sflag:s14] =	ssyncadd.s32 $0xFFFFFF80  }
0x57: {  	_ =	swait.ge [sflag:s14], $0x80  }
0x58: {  	[sflag:s14] =	ssyncset.done $0x0  }
0x59: {  	[sflag:s14] =	ssyncadd.s32 $0xFFFFFF80  }
0x5a: {  	_ =	swait.ge [sflag:s14], $0x80  }
0x5b: {  	[sflag:s14] =	ssyncset.done $0x0  }
0x5c: {  	[sflag:s14] =	ssyncadd.s32 $0xFFFFFF80  }
0x5d: {  	_ =	swait.ge [sflag:s14], $0x80  }
0x5e: {  	[sflag:s14] =	ssyncset.done $0x0  }
0x5f: {  	[sflag:s14] =	ssyncadd.s32 $0xFFFFFF80  }
0x60: {  	s22 =	simm.s32 $0x300;
	[bflag:$0x0] =	sbarrier.arrive $0xFFFF  }
0x61: {  	[spmem:s7] =	stream.indirect.scatter.add.f32 [tilespmem:s22], [sflag:$0x1], $0x1, s8, s18, $0xb8;
	[tilespmem:$0x3CD8] =	vst v63  }
0x62: {  	_ = 	snop  }
0x63: {  	[spmem:s6] =	stream.indirect.scatter.add.f32 [tilespmem:s11], [sflag:$0x1], $0x1, s8, s18, $0xb8;
	[tilespmem:$0x3CD8] =	vst v63  }
0x64: {  	s23 =	simm.s32 $0x200  }
0x65: {  	[spmem:s5] =	stream.indirect.scatter.add.f32 [tilespmem:s23], [sflag:$0x1], $0x1, s8, s18, $0xb8;
	[tilespmem:$0x3CD8] =	vst v63  }
0x66: {  	_ = 	snop  }
0x67: {  	[spmem:s7] =	stream.indirect.scatter.add.f32 [tilespmem:s22], [sflag:$0x1], $0x1, s18, s18, $0xb8;
	[tilespmem:$0x3CD8] =	vst v63  }
0x68: {  	_ = 	snop  }
0x69: {  	[spmem:s6] =	stream.indirect.scatter.add.f32 [tilespmem:s19], [sflag:$0x1], $0x1, s18, s18, $0xb8;
	[tilespmem:$0x3CD8] =	vst v63  }
0x6a: {  	s24 =	simm.s32 $0x280  }
0x6b: {  	[spmem:s5] =	stream.indirect.scatter.add.f32 [tilespmem:s24], [sflag:$0x1], $0x1, s18, s18, $0xb8;
	[tilespmem:$0x3CD8] =	vst v63  }
0x6c: {  	_ =	swait.ge [sflag:s13], $0x80  }
0x6d: {  	[sflag:s13] =	ssyncset.done $0x0  }
0x6e: {  	[sflag:s13] =	ssyncadd.s32 $0xFFFFFF80  }
0x6f: {  	_ =	swait.ge [sflag:s13], $0x80  }
0x70: {  	[sflag:s13] =	ssyncset.done $0x0  }
0x71: {  	[sflag:s13] =	ssyncadd.s32 $0xFFFFFF80  }
0x72: {  	_ =	swait.ge [sflag:s13], $0x80  }
0x73: {  	[sflag:s13] =	ssyncset.done $0x0  }
0x74: {  	[sflag:s13] =	ssyncadd.s32 $0xFFFFFF80  }
0x75: {  	_ =	swait.ge [sflag:s13], $0x80  }
0x76: {  	[sflag:s13] =	ssyncset.done $0x0  }
0x77: {  	[sflag:s13] =	ssyncadd.s32 $0xFFFFFF80  }
0x78: {  	_ =	swait.ge [sflag:s13], $0x80  }
0x79: {  	[sflag:s13] =	ssyncset.done $0x0  }
0x7a: {  	[sflag:s13] =	ssyncadd.s32 $0xFFFFFF80  }
0x7b: {  	_ =	swait.ge [sflag:s13], $0x80  }
0x7c: {  	[sflag:s13] =	ssyncset.done $0x0  }
0x7d: {  	[sflag:s13] =	ssyncadd.s32 $0xFFFFFF80  }
0x7e: {  	s25 =	simm.s32 $0x400;
	[bflag:$0x0] =	sbarrier.arrive $0xFFFF  }
0x7f: {  	[tilespmem:s25], [sflag:$0x2] =	stream.indirect.gather [spmem:s7], $0x1, s8, s18, $0xb8;
	[tilespmem:$0x3CD8] =	vst v63  }
0x80: {  	s26 =	simm.s32 $0x500  }
0x81: {  	[tilespmem:s26], [sflag:$0x2] =	stream.indirect.gather [spmem:s6], $0x1, s8, s18, $0xb8;
	[tilespmem:$0x3CD8] =	vst v63  }
0x82: {  	s28 =	simm.s32 $0x600  }
0x83: {  	[tilespmem:s28], [sflag:$0x2] =	stream.indirect.gather [spmem:s5], $0x1, s8, s18, $0xb8;
	[tilespmem:$0x3CD8] =	vst v63  }
0x84: {  	s29 =	simm.s32 $0x480  }
0x85: {  	[tilespmem:s29], [sflag:$0x2] =	stream.indirect.gather [spmem:s7], $0x1, s18, s18, $0xb8;
	[tilespmem:$0x3CD8] =	vst v63  }
0x86: {  	s30 =	simm.s32 $0x580  }
0x87: {  	[tilespmem:s30], [sflag:$0x2] =	stream.indirect.gather [spmem:s6], $0x1, s18, s18, $0xb8;
	[tilespmem:$0x3CD8] =	vst v63  }
0x88: {  	s31 =	simm.s32 $0x680  }
0x89: {  	[tilespmem:s31], [sflag:$0x2] =	stream.indirect.gather [spmem:s5], $0x1, s18, s18, $0xb8;
	[tilespmem:$0x3CD8] =	vst v63  }
0x8a: {  	_ =	swait.ge [sflag:s21], $0x80  }
0x8b: {  	[sflag:s21] =	ssyncset.done $0x0  }
0x8c: {  	[sflag:s21] =	ssyncadd.s32 $0xFFFFFF80  }
0x8d: {  	_ =	swait.ge [sflag:s21], $0x80  }
0x8e: {  	[sflag:s21] =	ssyncset.done $0x0  }
0x8f: {  	[sflag:s21] =	ssyncadd.s32 $0xFFFFFF80  }
0x90: {  	_ =	swait.ge [sflag:s21], $0x80  }
0x91: {  	[sflag:s21] =	ssyncset.done $0x0  }
0x92: {  	[sflag:s21] =	ssyncadd.s32 $0xFFFFFF80  }
0x93: {  	_ =	swait.ge [sflag:s21], $0x80  }
0x94: {  	[sflag:s21] =	ssyncset.done $0x0  }
0x95: {  	[sflag:s21] =	ssyncadd.s32 $0xFFFFFF80  }
0x96: {  	_ =	swait.ge [sflag:s21], $0x80  }
0x97: {  	[sflag:s21] =	ssyncset.done $0x0  }
0x98: {  	[sflag:s21] =	ssyncadd.s32 $0xFFFFFF80  }
0x99: {  	_ =	swait.ge [sflag:s21], $0x80  }
0x9a: {  	[sflag:s21] =	ssyncset.done $0x0  }
0x9b: {  	s7 =	simm.s32 $0xFFFFFF80;
	[sflag:s21] =	ssyncadd.s32 $0xFFFFFF80  }
0x9c: {  	v14 =	vld [tilespmem:s7+$0x480]  }
0x9d: {  	v15 =	vld [tilespmem:s7+$0x500];
	_ =	sdelay $0x3  }
0x9e: {  	v1 =	vmax.f32 v14, $1.000000000e+00  }
0x9f: {  	v2 =	vmax.f32 v15, $1.000000000e+00;
	(erf) = vrcp.f32 v1  }
0xa0: {  	(erf) = vrcp.f32 v2;
	_ =	sdelay $0x3  }
0xa1: {  	v1 =	vadd.f32 $-1.000000000e+00, v15  }
0xa2: {  	v2 =	vld [tilespmem:s7+$0x600]  }
0xa3: {  	v1 =	vmax.f32 v1, $1.000000000e+00;
	_ =	sdelay $0x1  }
0xa4: {  	(erf) = vrcp.f32 v1;
	v4 =	vpop (erf)  }
0xa5: {  	v1 =	vpop (erf)  }
0xa6: {  	s5 =	simm.s32 $0xFFFFFF90;
	v16 =	vmul.f32 v1, v2;
	v1 =	vld [tilespmem:s7+$0x700]  }
0xa7: {  	v2 =	vld [tilespmem:s5+$0x480]  }
0xa8: {  	v3 =	vld [tilespmem:s5+$0x500];
	v6 =	vadd.f32 $-1.000000000e+00, v14;
	v5 =	vmul.f32 v16, v15;
	_ =	sdelay $0x1  }
0xa9: {  	v6 =	vmax.f32 v6, $1.000000000e+00;
	v5 =	vmul.f32 v5, v16;
	_ =	sdelay $0x1  }
0xaa: {  	(erf) = vrcp.f32 v6;
	v1 =	vsub.f32 v1, v5;
	v5 =	vmax.f32 v2, $1.000000000e+00  }
0xab: {  	v7 =	vmax.f32 v3, $1.000000000e+00;
	v6 =	vpop (erf);
	(erf) = vrcp.f32 v5  }
0xac: {  	v9 =	vmul.f32 v1, v6;
	(erf) = vrcp.f32 v7  }
0xad: {  	v1 =	vld [tilespmem:s7+$0x580]  }
0xae: {  	v5 =	vmax.f32 v9, $1.000000000e-30  }
0xaf: {  	v6 =	vshrl.u32 v5, $0x1;
	v7 =	vmul.f32 $5.000000000e-01, v5  }
0xb0: {  	v5 =	vadd.f32 $-1.000000000e+00, v3;
	v6 =	vsub.s32 $0x5F3759DF, v6  }
0xb1: {  	v10 =	vld [tilespmem:s5+$0x600];
	v8 =	vmul.f32 v6, v7  }
0xb2: {  	v17 =	vmul.f32 v4, v1;
	v5 =	vmax.f32 v5, $1.000000000e+00  }
0xb3: {  	v4 =	vpop (erf);
	v1 =	vmul.f32 v6, v8;
	v8 =	vld [tilespmem:s7+$0x680]  }
0xb4: {  	(erf) = vrcp.f32 v5;
	v11 =	vmul.f32 v17, v14;
	v12 =	vpop (erf)  }
0xb5: {  	v1 =	vsub.f32 $1.500000000e+00, v1;
	v5 =	vpop (erf)  }
0xb6: {  	v11 =	vmul.f32 v11, v17;
	v5 =	vmul.f32 v5, v10  }
0xb7: {  	v10 =	vld [tilespmem:s5+$0x700];
	v6 =	vmul.f32 v6, v1  }
0xb8: {  	s6 =	simm.s32 $0xFFFFFFA0;
	v13 =	vmul.f32 v5, v3;
	v8 =	vsub.f32 v8, v11;
	v11 =	vadd.f32 $-1.000000000e+00, v2  }
0xb9: {  	v1 =	vld [tilespmem:s6+$0x480];
	v18 =	vmul.f32 v6, v7  }
0xba: {  	v13 =	vmul.f32 v13, v5;
	v19 =	vmul.f32 v8, v4;
	v4 =	vld [tilespmem:s6+$0x500];
	v8 =	vmax.f32 v11, $1.000000000e+00;
	_ =	sdelay $0x1  }
0xbb: {  	v11 =	vmul.f32 v18, v6;
	v10 =	vsub.f32 v10, v13;
	v13 =	vmax.f32 v19, $1.000000000e-30  }
0xbc: {  	(erf) = vrcp.f32 v8;
	v8 =	vpop (erf);
	v18 =	vshrl.u32 v13, $0x1;
	v13 =	vmul.f32 $5.000000000e-01, v13  }
0xbd: {  	v23 =	vmul.f32 v10, v8;
	v8 =	vsub.s32 $0x5F3759DF, v18;
	v10 =	vmax.f32 v1, $1.000000000e+00  }
0xbe: {  	v18 =	vld [tilespmem:s5+$0x580];
	v20 =	vmul.f32 v8, v13;
	v21 =	vmax.f32 v4, $1.000000000e+00;
	(erf) = vrcp.f32 v10  }
0xbf: {  	(erf) = vrcp.f32 v21  }
0xc0: {  	v20 =	vmul.f32 v8, v20  }
0xc1: {  	v10 =	vsub.f32 $1.500000000e+00, v11;
	v11 =	vmax.f32 v23, $1.000000000e-30  }
0xc2: {  	v21 =	vshrl.u32 v11, $0x1;
	v22 =	vmul.f32 $5.000000000e-01, v11;
	v11 =	vsub.f32 $1.500000000e+00, v20  }
0xc3: {  	v20 =	vsub.s32 $0x5F3759DF, v21;
	v21 =	vmul.f32 v10, v6;
	v10 =	vmul.f32 v12, v18  }
0xc4: {  	v18 =	vadd.f32 $-1.000000000e+00, v4;
	v6 =	vmul.f32 v20, v22;
	v11 =	vmul.f32 v8, v11;
	v8 =	vld [tilespmem:s6+$0x600]  }
0xc5: {  	v12 =	vld [tilespmem:s6+$0x580];
	v7 =	vmul.f32 v21, v7;
	v24 =	vmul.f32 v10, v2  }
0xc6: {  	v25 =	vpop (erf);
	v18 =	vmax.f32 v18, $1.000000000e+00;
	v6 =	vmul.f32 v20, v6;
	v26 =	vmul.f32 v11, v13  }
0xc7: {  	(erf) = vrcp.f32 v18;
	v18 =	vld [tilespmem:s5+$0x680];
	v7 =	vmul.f32 v7, v21;
	v27 =	vpop (erf)  }
0xc8: {  	v28 =	vsub.f32 $1.500000000e+00, v6;
	v26 =	vmul.f32 v26, v11;
	v29 =	vpop (erf)  }
0xc9: {  	v24 =	vmul.f32 v24, v10;
	v7 =	vsub.f32 $1.500000000e+00, v7;
	v8 =	vmul.f32 v29, v8  }
0xca: {  	v6 =	vmul.f32 v27, v12;
	v20 =	vmul.f32 v20, v28;
	v12 =	vsub.f32 $1.500000000e+00, v26;
	v26 =	vld [tilespmem:s6+$0x700]  }
0xcb: {  	v21 =	vmul.f32 v7, v21;
	v7 =	vadd.f32 $-1.000000000e+00, v1;
	v28 =	vmul.f32 v8, v4  }
0xcc: {  	s8 =	simm.s32 $0xFFFFFFB0;
	v12 =	vmul.f32 v12, v11;
	v11 =	vsub.f32 v18, v24  }
0xcd: {  	v18 =	vmax.f32 v7, $1.000000000e+00;
	v7 =	vld [tilespmem:s8+$0x480];
	v24 =	vmul.f32 v28, v8  }
0xce: {  	v28 =	vmax.f32 v9, $0.0e+00;
	v9 =	vmul.f32 v12, v13;
	v13 =	vmul.f32 v11, v25  }
0xcf: {  	vm0 =	vgt.f32 v14, $2.000000000e+00;
	v29 =	vmul.f32 v20, v22;
	v11 =	vsub.f32 v26, v24  }
0xd0: {  	(erf) = vrcp.f32 v18;
	v18 =	vpop (erf);
	v25 =	vmul.f32 v9, v12;
	v26 =	vmax.f32 v13, $1.000000000e-30  }
0xd1: {  	v21 =	vmul.f32 v21, v28;
	v9 =	vld [tilespmem:s8+$0x500];
	v11 =	vmul.f32 v11, v18;
	v18 =	vshrl.u32 v26, $0x1  }
0xd2: {  	v26 =	vmul.f32 $5.000000000e-01, v26;
	v30 =	vmax.f32 v7, $1.000000000e+00;
	v25 =	vsub.f32 $1.500000000e+00, v25  }
0xd3: {  	v24 =	vmul.f32 v29, v20;
	v18 =	vsub.s32 $0x5F3759DF, v18;
	(erf) = vrcp.f32 v30  }
0xd4: {  	vm1 =	vgt.f32 v15, $2.000000000e+00;
	v29 =	vmul.f32 v18, v26;
	v12 =	vmul.f32 v25, v12  }
0xd5: {  	v19 =	vmax.f32 v19, $0.0e+00;
	v21 =	vadd.f32 $1.000000050e-03, v21;
	v28 =	vmax.f32 v11, $1.000000000e-30  }
0xd6: {  	v25 =	vmax.f32 v9, $1.000000000e+00;
	v29 =	vmul.f32 v18, v29;
	v19 =	vmul.f32 v12, v19  }
0xd7: {  	v24 =	vsub.f32 $1.500000000e+00, v24;
	v30 =	vshrl.u32 v28, $0x1;
	(erf) = vrcp.f32 v25  }
0xd8: {  	v12 =	vmul.f32 $5.000000000e-01, v28;
	v25 =	vsub.f32 $1.500000000e+00, v29;
	v19 =	vadd.f32 $1.000000050e-03, v19  }
0xd9: {  	v32 =	vld [tilespmem:s8+$0x580];
	v20 =	vmul.f32 v24, v20;
	(erf) = vrcp.f32 v21;
	v21 =	vsub.s32 $0x5F3759DF, v30  }
0xda: {  	v28 =	vadd.f32 $-1.000000000e+00, v7;
	v30 =	vld [tilespmem:s7+$0x180];
	v29 =	vmul.f32 v21, v12;
	v25 =	vmul.f32 v18, v25  }
0xdb: {  	v31 =	vadd.f32 $-1.000000000e+00, v9;
	v22 =	vmul.f32 v20, v22;
	(erf) = vrcp.f32 v19  }
0xdc: {  	v18 =	vmax.f32 v28, $1.000000000e+00;
	v28 =	vld [tilespmem:s8+$0x600];
	v29 =	vmul.f32 v21, v29;
	v33 =	vmul.f32 v25, v26;
	v19 =	vpop (erf)  }
0xdd: {  	v27 =	vmul.f32 v6, v1;
	v24 =	vld [tilespmem:s7+$0x200];
	v22 =	vmul.f32 v22, v20;
	v14 =	vmax.f32 v31, $1.000000000e+00;
	v15 =	vpop (erf)  }
0xde: {  	v29 =	vsub.f32 $1.500000000e+00, v29;
	v31 =	vmul.f32 v33, v25;
	v15 =	vmul.f32 v15, v32  }
0xdf: {  	v62 =	vld [tilespmem:s6+$0x680];
	v34 =	vsub.f32 $1.500000000e+00, v22;
	v22 =	vsub.f32 v30, v17;
	(erf) = vrcp.f32 v14  }
0xe0: {  	v17 =	vmul.f32 v21, v29;
	v14 =	vpop (erf);
	v29 =	vsub.f32 $1.500000000e+00, v31;
	v30 =	vmul.f32 v15, v7  }
0xe1: {  	v23 =	vmax.f32 v23, $0.0e+00;
	v27 =	vmul.f32 v27, v6;
	v14 =	vmul.f32 v14, v28  }
0xe2: {  	v21 =	vmul.f32 v34, v20;
	v28 =	vsub.f32 v24, v16;
	v16 =	vpop (erf);
	v20 =	vmul.f32 v29, v25;
	v25 =	vld [tilespmem:s8+$0x700]  }
0xe3: {  	v24 =	vmul.f32 v17, v12;
	v31 =	vsel vm1, v16, v0;
	v63 =	vmul.f32 v14, v9  }
0xe4: {  	v29 =	vsub.f32 v62, v27;
	v16 =	vmul.f32 v30, v15;
	v28 =	vmul.f32 v31, v28;
	v30 =	vpop (erf)  }
0xe5: {  	s9 =	simm.s32 $0xFFFFFF00;
	v26 =	vmul.f32 v20, v26;
	v27 =	vmul.f32 v63, v14;
	v30 =	vsel vm0, v30, v0  }
.LBB2_1:
0xe6: {  	s10 =	sshra.s32 s9, $0x2;
	p0 =	sne.s32 s9, $0xFFFFFFC0;
	s9 =	sadd.s32 $0x40, s9;
	v31 =	vmax.f32 v13, $0.0e+00;
	v13 =	vmul.f32 v29, v19;
	v19 =	vmul.f32 v30, v22;
	[tilespmem:s7+$0x800] =	vst v28;
	v32 =	vmovc v6  }
0xe7: {  	v24 =	vmul.f32 v24, v17;
	v6 =	vmovc v15;
	v22 =	vld [tilespmem:s10+$0x480];
	v25 =	vsub.f32 v25, v27;
	v26 =	vmul.f32 v26, v20  }
0xe8: {  	v21 =	vmul.f32 v21, v23;
	v27 =	vld [tilespmem:s10+$0x500];
	(erf) = vrcp.f32 v18;
	v15 =	vpop (erf);
	v18 =	vmax.f32 v13, $1.000000000e-30;
	[tilespmem:s7+$0x780] =	vst v19;
	s7 =	smov.u32 s5;
	s5 =	smov.u32 s6;
	s6 =	smov.u32 s8  }
0xe9: {  	v23 =	vmovc v5;
	v5 =	vmovc v8;
	s8 =	smov.u32 s10;
	v28 =	vmul.f32 v25, v15;
	v15 =	vshrl.u32 v18, $0x1;
	v30 =	vmul.f32 $5.000000000e-01, v18  }
0xea: {  	v8 =	vmovc v14;
	v18 =	vsub.f32 $1.500000000e+00, v24;
	v19 =	vsub.f32 $1.500000000e+00, v26;
	v15 =	vsub.s32 $0x5F3759DF, v15  }
0xeb: {  	v21 =	vadd.f32 $1.000000050e-03, v21;
	v14 =	vmax.f32 v28, $1.000000000e-30;
	v24 =	vmul.f32 v15, v30  }
0xec: {  	v19 =	vmul.f32 v19, v20;
	v25 =	vmax.f32 v22, $1.000000000e+00;
	v26 =	vshrl.u32 v14, $0x1  }
0xed: {  	v20 =	vmax.f32 v27, $1.000000000e+00;
	(erf) = vrcp.f32 v25;
	v24 =	vmul.f32 v15, v24  }
0xee: {  	v25 =	vadd.f32 $-1.000000000e+00, v27;
	v31 =	vmul.f32 v19, v31;
	(erf) = vrcp.f32 v20  }
0xef: {  	v14 =	vmul.f32 $5.000000000e-01, v14;
	v20 =	vsub.f32 $1.500000000e+00, v24;
	(erf) = vrcp.f32 v21  }
0xf0: {  	v21 =	vsub.s32 $0x5F3759DF, v26;
	v24 =	vmul.f32 v18, v17;
	v17 =	vadd.f32 $1.000000050e-03, v31;
	v26 =	vld [tilespmem:s7+$0x200]  }
0xf1: {  	v18 =	vadd.f32 $-1.000000000e+00, v22;
	v29 =	vmul.f32 v21, v14;
	v19 =	vpop (erf);
	v20 =	vmul.f32 v15, v20;
	v15 =	vld [tilespmem:s7+$0x180]  }
0xf2: {  	v33 =	vmul.f32 v24, v12;
	v12 =	vmov v14;
	v31 =	vld [tilespmem:s8+$0x580];
	(erf) = vrcp.f32 v17  }
0xf3: {  	v18 =	vmax.f32 v18, $1.000000000e+00;
	v17 =	vmul.f32 v21, v29;
	v14 =	vld [tilespmem:s8+$0x600];
	v29 =	vmul.f32 v20, v30  }
0xf4: {  	vm0 =	vgt.f32 v2, $2.000000000e+00;
	vm1 =	vgt.f32 v3, $2.000000000e+00;
	v2 =	vmovc v1;
	v1 =	vmovc v7;
	v33 =	vmul.f32 v33, v24  }
0xf5: {  	v3 =	vmovc v4;
	v7 =	vmovc v22;
	v25 =	vmax.f32 v25, $1.000000000e+00;
	v17 =	vsub.f32 $1.500000000e+00, v17;
	v29 =	vmul.f32 v29, v20  }
0xf6: {  	v4 =	vpop (erf);
	(erf) = vrcp.f32 v25;
	v34 =	vld [tilespmem:s6+$0x680];
	v25 =	vsub.f32 $1.500000000e+00, v33;
	v22 =	vsub.f32 v15, v10  }
0xf7: {  	v17 =	vmul.f32 v21, v17;
	v15 =	vmul.f32 v4, v31;
	v4 =	vpop (erf);
	v10 =	vsub.f32 $1.500000000e+00, v29  }
.Ltmp0:
0xf8: {  	v26 =	vsub.f32 v26, v23;
	v14 =	vmul.f32 v4, v14;
	v21 =	vmul.f32 v25, v24;
	v4 =	vpop (erf);
	(pc) =	sbr.rel @p0 .LBB2_1-.Ltmp0, $4  }
0xf9: {  	v24 =	vmul.f32 v17, v12;
	v31 =	vmul.f32 v15, v7;
	v25 =	vld [tilespmem:s8+$0x700];
	v33 =	vsel vm1, v4, v0;
	v4 =	vmovc v9  }
0xfa: {  	v23 =	vmax.f32 v11, $0.0e+00;
	v11 =	vmovc v28;
	v20 =	vmul.f32 v10, v20;
	v9 =	vmovc v27;
	v35 =	vmul.f32 v14, v27  }
0xfb: {  	v28 =	vmul.f32 v33, v26;
	v29 =	vsub.f32 v34, v16;
	v16 =	vmul.f32 v31, v15;
	v10 =	vpop (erf)  }
0xfc: {  	v26 =	vmul.f32 v20, v30;
	v27 =	vmul.f32 v35, v14;
	v30 =	vsel vm0, v10, v0;
	v10 =	vmovc v32  }
0xfd: {  	v19 =	vmul.f32 v29, v19  }
0xfe: {  	v22 =	vmul.f32 v30, v22;
	(erf) = vrcp.f32 v18  }
0xff: {  	[tilespmem:s7+$0x800] =	vst v28;
	v52 =	vmax.f32 v19, $1.000000000e-30  }
0x100: {  	[tilespmem:s7+$0x780] =	vst v22;
	v53 =	vshrl.u32 v52, $0x1;
	v18 =	vmul.f32 $5.000000000e-01, v52  }
0x101: {  	v28 =	vld [tilespmem:s8+$0x680];
	v22 =	vsub.s32 $0x5F3759DF, v53  }
0x102: {  	v54 =	vmul.f32 v22, v18  }
0x103: {  	v21 =	vmul.f32 v21, v23  }
0x104: {  	v25 =	vsub.f32 v25, v27;
	v29 =	vmul.f32 v22, v54  }
0x105: {  	v24 =	vmul.f32 v24, v17;
	v26 =	vmul.f32 v26, v20;
	v55 =	vpop (erf);
	v21 =	vadd.f32 $1.000000050e-03, v21  }
0x106: {  	v25 =	vmul.f32 v25, v55;
	v16 =	vsub.f32 v28, v16;
	v56 =	vsub.f32 $1.500000000e+00, v29  }
0x107: {  	v24 =	vsub.f32 $1.500000000e+00, v24;
	v26 =	vsub.f32 $1.500000000e+00, v26;
	(erf) = vrcp.f32 v21;
	v58 =	vpop (erf)  }
0x108: {  	v27 =	vmax.f32 v25, $1.000000000e-30;
	v16 =	vmul.f32 v16, v58;
	v22 =	vmul.f32 v22, v56  }
0x109: {  	v57 =	vmul.f32 v26, v20;
	v59 =	vshrl.u32 v27, $0x1;
	v60 =	vmul.f32 $5.000000000e-01, v27  }
0x10a: {  	v23 =	vsub.s32 $0x5F3759DF, v59;
	v26 =	vmax.f32 v16, $1.000000000e-30;
	v61 =	vmul.f32 v22, v18  }
0x10b: {  	v63 =	vmul.f32 v23, v60;
	v62 =	vshrl.u32 v26, $0x1;
	v26 =	vmul.f32 $5.000000000e-01, v26  }
0x10c: {  	v32 =	vmul.f32 v24, v17;
	v27 =	vsub.s32 $0x5F3759DF, v62;
	v21 =	vmul.f32 v61, v22  }
0x10d: {  	v13 =	vmax.f32 v13, $0.0e+00;
	v28 =	vmul.f32 v23, v63;
	v33 =	vmul.f32 v27, v26  }
0x10e: {  	v13 =	vmul.f32 v57, v13;
	v21 =	vsub.f32 $1.500000000e+00, v21  }
0x10f: {  	v12 =	vmul.f32 v32, v12;
	v28 =	vsub.f32 $1.500000000e+00, v28;
	v24 =	vmul.f32 v27, v33  }
0x110: {  	v13 =	vadd.f32 $1.000000050e-03, v13;
	v21 =	vmul.f32 v21, v22  }
0x111: {  	v12 =	vmul.f32 v12, v32;
	v23 =	vmul.f32 v23, v28;
	v35 =	vsub.f32 $1.500000000e+00, v24  }
0x112: {  	(erf) = vrcp.f32 v13;
	v18 =	vmul.f32 v21, v18  }
0x113: {  	v34 =	vld [tilespmem:s5+$0x200];
	v36 =	vmul.f32 v23, v60;
	v13 =	vmul.f32 v27, v35  }
0x114: {  	vm0 =	vgt.f32 v2, $2.000000000e+00;
	v12 =	vsub.f32 $1.500000000e+00, v12;
	v18 =	vmul.f32 v18, v21  }
0x115: {  	vm1 =	vgt.f32 v3, $2.000000000e+00;
	v2 =	vmul.f32 v36, v23;
	v39 =	vmul.f32 v13, v26  }
0x116: {  	v11 =	vmax.f32 v11, $0.0e+00;
	v38 =	vmul.f32 v12, v32;
	v18 =	vsub.f32 $1.500000000e+00, v18  }
0x117: {  	v42 =	vmax.f32 v19, $0.0e+00;
	v37 =	vld [tilespmem:s5+$0x180];
	v2 =	vsub.f32 $1.500000000e+00, v2;
	v12 =	vmul.f32 v39, v13  }
0x118: {  	v5 =	vsub.f32 v34, v5;
	v40 =	vpop (erf);
	v3 =	vmul.f32 v38, v11;
	v41 =	vmul.f32 v18, v21  }
0x119: {  	v17 =	vsel vm1, v40, v0;
	v2 =	vmul.f32 v2, v23;
	v43 =	vsub.f32 $1.500000000e+00, v12  }
0x11a: {  	v5 =	vmul.f32 v17, v5;
	v3 =	vadd.f32 $1.000000050e-03, v3;
	v17 =	vmul.f32 v41, v42  }
0x11b: {  	v46 =	vmul.f32 v2, v60;
	v11 =	vmul.f32 v43, v13  }
0x11c: {  	v10 =	vsub.f32 v37, v10;
	(erf) = vrcp.f32 v3;
	v44 =	vpop (erf);
	v45 =	vadd.f32 $1.000000050e-03, v17  }
0x11d: {  	v48 =	vmul.f32 v46, v2;
	v12 =	vsel vm0, v44, v0;
	v47 =	vmul.f32 v11, v26  }
0x11e: {  	v10 =	vmul.f32 v12, v10;
	(erf) = vrcp.f32 v45  }
0x11f: {  	[tilespmem:s5+$0x800] =	vst v5;
	v3 =	vmul.f32 v47, v11  }
0x120: {  	v49 =	vsub.f32 $1.500000000e+00, v48;
	[tilespmem:s5+$0x780] =	vst v10  }
0x121: {  	v10 =	vld [tilespmem:s6+$0x200];
	v3 =	vsub.f32 $1.500000000e+00, v3  }
0x122: {  	v2 =	vmul.f32 v49, v2;
	v50 =	vld [tilespmem:s6+$0x180]  }
0x123: {  	v51 =	vmax.f32 v25, $0.0e+00;
	v3 =	vmul.f32 v3, v11  }
0x124: {  	v52 =	vmax.f32 v16, $0.0e+00;
	v2 =	vmul.f32 v2, v51  }
0x125: {  	vm12 =	vgt.f32 v1, $2.000000000e+00;
	v53 =	vmul.f32 v3, v52  }
0x126: {  	vm13 =	vgt.f32 v4, $2.000000000e+00;
	v55 =	vpop (erf);
	v2 =	vadd.f32 $1.000000050e-03, v2;
	v54 =	vsub.f32 v10, v8  }
0x127: {  	v4 =	vsel vm13, v55, v0;
	v56 =	vsub.f32 v50, v6;
	v1 =	vadd.f32 $1.000000050e-03, v53;
	v57 =	vpop (erf)  }
0x128: {  	(erf) = vrcp.f32 v2;
	v3 =	vmul.f32 v4, v54;
	v58 =	vsel vm12, v57, v0  }
0x129: {  	(erf) = vrcp.f32 v1;
	v59 =	vmul.f32 v58, v56  }
0x12a: {  	[tilespmem:s6+$0x800] =	vst v3  }
0x12b: {  	[tilespmem:s6+$0x780] =	vst v59  }
0x12c: {  	v60 =	vld [tilespmem:s8+$0x200]  }
0x12d: {  	v2 =	vld [tilespmem:s8+$0x180];
	_ =	sdelay $0x3  }
0x12e: {  	vm14 =	vgt.f32 v9, $2.000000000e+00;
	v61 =	vpop (erf);
	v1 =	vsub.f32 v60, v14  }
0x12f: {  	vm15 =	vgt.f32 v7, $2.000000000e+00;
	v3 =	vsel vm14, v61, v0;
	v2 =	vsub.f32 v2, v15;
	v62 =	vpop (erf)  }
0x130: {  	v63 =	vsel vm15, v62, v0;
	v1 =	vmul.f32 v3, v1  }
0x131: {  	v0 =	vmul.f32 v63, v2  }
0x132: {  	s4 =	sadd.s32 s2, s4;
	[tilespmem:s8+$0x800] =	vst v1  }
0x133: {  	s26 =	simm.s32 $0x0;
	s28 =	simm.s32 $0x700;
	s29 =	simm.s32 $0x4;
	[tilespmem:s8+$0x780] =	vst v0  }
0x134: {  	[hbm4b:s4+s26] =	stream.linear.scatter [tilespmem:s28], [sflag:$0x4], $0x80, $0x38;
	[tilespmem:$0x3CD8] =	vst v63  }
0x135: {  	_ =	swait.ge [sflag:s29], $0x80  }
0x136: {  	[sflag:s29] =	ssyncset.done $0x0  }
0x137: {  	s30 =	sadd.s32 s2, s3;
	s31 =	simm.s32 $0x780;
	[sflag:s29] =	ssyncadd.s32 $0xFFFFFF80  }
0x138: {  	[hbm4b:s30+s26] =	stream.linear.scatter [tilespmem:s31], [sflag:$0x4], $0x80, $0x38;
	[tilespmem:$0x3CD8] =	vst v63  }
0x139: {  	_ =	swait.ge [sflag:s29], $0x80  }
0x13a: {  	[sflag:s29] =	ssyncset.done $0x0  }
0x13b: {  	[sflag:s29] =	ssyncadd.s32 $0xFFFFFF80  }
0x13c: {  	_ =	sfence.sel $0x180000  }
0x13d: {  	[bflag:$0x0] =	sbarrier.arrive $0xFFFF  }
0x13e: {  	p0 =	sne.s32 s1, $0x0;
	_ =	strace $0x90000047  }
0x13f: {  	s0 =	sadd.s32 @!p0 $0x100000, s0;
	[bflag:$0x2] =	sbarrier.arrive $0xFFFF  }
0x140: {  	[sflag:s0] =	ssyncadd.tile.s32 @!p0 $0x1;
	_ =	shalt  }
.Lfunc_end2:
_tile_overlayer_lowered:
.L_overlay_start_2:
0x141: {  	(tag) =	ssettag $0x2  }
0x142: {  	s0 =	rddreg [dreg:$0x0];
	s2 =	stileid.u32  }
0x143: {  	s1 =	rddreg [dreg:$0x1];
	p0 =	sne.s32 s2, $0x0  }
0x144: {  	s3 =	rddreg [dreg:$0x2];
	[bflag:$0x3] =	sbarrier.arrive $0xFFFF;
	s2 =	simm.s32 @!p0 $0x1C04  }
0x145: {  	[timem:s3], [sflag:s2] =	dma.local @!p0 [hbm:s0], s1  }
0x146: {  	s0 =	simm.s32 @!p0 $0x4  }
0x147: {  	_ =	swait.ge @!p0 [sflag:s0], s1  }
0x148: {  	s1 =	ssub.s32 @!p0 $0x0, s1;
	[sflag:s0] =	ssyncset.done @!p0 $0x0  }
0x149: {  	[sflag:s0] =	ssyncadd.s32 @!p0 s1  }
0x14a: {  	[bflag:$0x3] =	sbarrier.arrive $0xFFFF  }
0x14b: {  	_ =	shalt  }

</sc_bundles>
